<compile_context>
chip_gen: v7x
topology: tpu7x:2x2x1
jax: 0.10.2.dev20260603
libtpu: 0.0.44.dev20260713+nightly
codegen_flags: <defaults>
</compile_context>

<pallas_src>
import functools
import jax
import jax.numpy as jnp
from jax import lax
from jax.experimental import pallas as pl
from jax.experimental.pallas import tpu as pltpu

KNN = 20
_RT = 256
_IDXPAD = 32


def _knn_kernel(x_ref, xx_ref, idx_ref):
    i = pl.program_id(1)
    rt = idx_ref.shape[0]
    C, N = x_ref.shape
    xb = x_ref[...].astype(jnp.bfloat16)
    xtb = x_ref[:, pl.ds(i * rt, rt)].astype(jnp.bfloat16)
    inner = -2.0 * jax.lax.dot_general(
        xtb, xb, (((0,), (0,)), ((), ())),
        preferred_element_type=jnp.float32)
    xi = xx_ref[0, pl.ds(i * rt, rt)].reshape(rt, 1)
    d = (-xx_ref[...] - inner) - xi
    iota = jax.lax.broadcasted_iota(jnp.int32, (rt, N), 1)
    for k in range(KNN):
        m = jnp.max(d, axis=1, keepdims=True)
        j = jnp.min(jnp.where(d == m, iota, N), axis=1, keepdims=True)
        idx_ref[:, k:k + 1] = j
        d = jnp.where(iota == j, -jnp.inf, d)


def _knn(x):
    B, C, N = x.shape
    xx = jnp.sum(x * x, axis=1, keepdims=True)
    grid = (B, N // _RT)
    idx = pl.pallas_call(
        _knn_kernel,
        grid=grid,
        in_specs=[
            pl.BlockSpec((None, C, N), lambda b, i: (b, 0, 0)),
            pl.BlockSpec((None, 1, N), lambda b, i: (b, 0, 0)),
        ],
        out_specs=pl.BlockSpec((None, _RT, _IDXPAD), lambda b, i: (b, i, 0)),
        out_shape=jax.ShapeDtypeStruct((B, N, _IDXPAD), jnp.int32),
    )(x, xx)
    return idx[:, :, :KNN]


_CT = 256


def _conv_kernel(xg_ref, x_ref, w_ref, m_ref, s1_ref, s2_ref):
    xi = x_ref[...]
    xib = xi.astype(jnp.bfloat16)
    wb = w_ref[...].astype(jnp.bfloat16)
    macc = None
    ts = []
    for k in range(KNN):
        diff = (xg_ref[k] - xi).astype(jnp.bfloat16)
        f = jnp.concatenate([diff, xib], axis=0)
        t = jax.lax.dot_general(wb, f, (((1,), (0,)), ((), ())),
                                preferred_element_type=jnp.float32)
        macc = t if macc is None else jnp.maximum(macc, t)
        ts.append(t)

    def _tree(vals):
        while len(vals) > 1:
            nxt = [vals[i] + vals[i + 1] for i in range(0, len(vals) - 1, 2)]
            if len(vals) % 2:
                nxt.append(vals[-1])
            vals = nxt
        return vals[0]

    m_ref[...] = macc
    s1_ref[...] = jnp.sum(_tree(list(ts)), axis=1, keepdims=True)
    s2_ref[...] = jnp.sum(_tree([t * t for t in ts]), axis=1, keepdims=True)


def _edgeconv_fused(x, idx, W, g, b):
    B, C, N = x.shape
    O = W.shape[0]
    fidx = (idx + jnp.arange(B).reshape(-1, 1, 1) * N).reshape(-1)
    xt = jnp.transpose(x, (0, 2, 1)).reshape(B * N, C)
    xg = xt[fidx].reshape(B, N, KNN, C)
    xg = jnp.transpose(xg, (0, 2, 3, 1))
    nt = N // _CT
    grid = (B, nt)
    m, s1, s2 = pl.pallas_call(
        _conv_kernel,
        grid=grid,
        in_specs=[
            pl.BlockSpec((None, KNN, C, _CT), lambda bb, i: (bb, 0, 0, i)),
            pl.BlockSpec((None, C, _CT), lambda bb, i: (bb, 0, i)),
            pl.BlockSpec((O, 2 * C), lambda bb, i: (0, 0)),
        ],
        out_specs=[
            pl.BlockSpec((None, O, _CT), lambda bb, i: (bb, 0, i)),
            pl.BlockSpec((None, None, O, 1), lambda bb, i: (bb, i, 0, 0)),
            pl.BlockSpec((None, None, O, 1), lambda bb, i: (bb, i, 0, 0)),
        ],
        out_shape=[
            jax.ShapeDtypeStruct((B, O, N), jnp.float32),
            jax.ShapeDtypeStruct((B, nt, O, 1), jnp.float32),
            jax.ShapeDtypeStruct((B, nt, O, 1), jnp.float32),
        ],
    )(xg, x, W)
    cnt = B * N * KNN
    mean = jnp.sum(s1, axis=(0, 1, 3)) / cnt
    var = jnp.sum(s2, axis=(0, 1, 3)) / cnt - mean * mean
    y = (m - mean.reshape(1, O, 1)) / jnp.sqrt(var + 1e-5).reshape(1, O, 1)
    y = y * g.reshape(1, O, 1) + b.reshape(1, O, 1)
    return jnp.where(y >= 0, y, 0.2 * y)


def _bn(x, g, b, axes):
    m = jnp.mean(x, axis=axes, keepdims=True)
    v = jnp.var(x, axis=axes, keepdims=True)
    sh = [1] * x.ndim
    sh[1] = g.shape[0]
    return (x - m) / jnp.sqrt(v + 1e-5) * g.reshape(sh) + b.reshape(sh)


def _lrelu(x):
    return jnp.where(x >= 0, x, 0.2 * x)


def _edgeconv_exact(x, W, g, b):
    B, C, N = x.shape
    idx = _knn(x)
    fidx = (idx + jnp.arange(B).reshape(-1, 1, 1) * N).reshape(-1)
    xt = jnp.transpose(x, (0, 2, 1)).reshape(B * N, C)
    feat = xt[fidx].reshape(B, N, KNN, C)
    xr = jnp.broadcast_to(xt.reshape(B, N, 1, C), (B, N, KNN, C))
    feat = jnp.concatenate([feat - xr, xr], axis=3)
    f = jnp.transpose(feat, (0, 3, 1, 2))
    f = _lrelu(_bn(jnp.einsum('oi,bink->bonk', W, f), g, b, (0, 2, 3)))
    return jnp.max(f, axis=-1)


def _edgeconv(x, W, g, b):
    idx = _knn(x)
    return _edgeconv_fused(x, idx, W, g, b)


def kernel(points, params):
    p = params
    B, N = points.shape[0], points.shape[1]
    x = points.reshape(B, -1, N)
    x1 = _edgeconv_exact(x, p['W1'], p['g1'], p['b1'])
    x2 = _edgeconv_exact(x1, p['W2'], p['g2'], p['b2'])
    x3 = _edgeconv_exact(x2, p['W3'], p['g3'], p['b3'])
    x4 = _edgeconv(x3, p['W4'], p['g4'], p['b4'])
    xc = jnp.concatenate([x1, x2, x3, x4], axis=1)
    x5 = _lrelu(_bn(jnp.einsum('oi,bin->bon', p['W5'], xc), p['g5'], p['b5'], (0, 2)))
    h = jnp.concatenate([jnp.max(x5, axis=-1), jnp.mean(x5, axis=-1)], axis=1)
    h = _lrelu(_bn(h @ p['Wl1'].T, p['g6'], p['b6'], (0,)))
    h = _lrelu(_bn(h @ p['Wl2'].T + p['bl2'], p['g7'], p['b7'], (0,)))
    return h @ p['Wl3'].T + p['bl3']

# --- scband reference (transcript-rebuilt; emitter-appended) ---
"""Pipeline reference for scband-dgcnnmodule-16458314678665 (READ-ONLY COPY).

The authoritative reference and input builder live on the scoring server;
editing this copy changes nothing except your own understanding.
"""

import jax, jax.numpy as jnp
import numpy as np

K = 20

def knn(x, k):
    inner = -2.0 * jnp.matmul(jnp.transpose(x, (0, 2, 1)), x)
    xx = jnp.sum(x ** 2, axis=1, keepdims=True)
    pd = -xx - inner - jnp.transpose(xx, (0, 2, 1))
    return jax.lax.top_k(pd, k)[1]

def get_graph_feature(x, k):
    B, C, N = x.shape
    idx = knn(x, k)
    idx = (idx + jnp.arange(B).reshape(-1, 1, 1) * N).reshape(-1)
    xt = jnp.transpose(x, (0, 2, 1)).reshape(B * N, C)
    feat = xt[idx].reshape(B, N, k, C)
    xr = jnp.broadcast_to(xt.reshape(B, N, 1, C), (B, N, k, C))
    feat = jnp.concatenate([feat - xr, xr], axis=3)
    return jnp.transpose(feat, (0, 3, 1, 2))

def bn(x, g, b, axes):
    m = jnp.mean(x, axis=axes, keepdims=True)
    v = jnp.var(x, axis=axes, keepdims=True)
    sh = [1] * x.ndim
    sh[1] = g.shape[0]
    return (x - m) / jnp.sqrt(v + 1e-5) * g.reshape(sh) + b.reshape(sh)

def lrelu(x):
    return jnp.where(x >= 0, x, 0.2 * x)

def forward(points, p):
    B, N = points.shape[0], points.shape[1]
    x = points.reshape(B, -1, N)
    f = get_graph_feature(x, K)
    f = lrelu(bn(jnp.einsum('oi,bink->bonk', p['W1'], f), p['g1'], p['b1'], (0, 2, 3)))
    x1 = jnp.max(f, axis=-1)
    f = get_graph_feature(x1, K)
    f = lrelu(bn(jnp.einsum('oi,bink->bonk', p['W2'], f), p['g2'], p['b2'], (0, 2, 3)))
    x2 = jnp.max(f, axis=-1)
    f = get_graph_feature(x2, K)
    f = lrelu(bn(jnp.einsum('oi,bink->bonk', p['W3'], f), p['g3'], p['b3'], (0, 2, 3)))
    x3 = jnp.max(f, axis=-1)
    f = get_graph_feature(x3, K)
    f = lrelu(bn(jnp.einsum('oi,bink->bonk', p['W4'], f), p['g4'], p['b4'], (0, 2, 3)))
    x4 = jnp.max(f, axis=-1)
    xc = jnp.concatenate([x1, x2, x3, x4], axis=1)
    x5 = lrelu(bn(jnp.einsum('oi,bin->bon', p['W5'], xc), p['g5'], p['b5'], (0, 2)))
    h = jnp.concatenate([jnp.max(x5, axis=-1), jnp.mean(x5, axis=-1)], axis=1)
    h = lrelu(bn(h @ p['Wl1'].T, p['g6'], p['b6'], (0,)))
    h = lrelu(bn(h @ p['Wl2'].T + p['bl2'], p['g7'], p['b7'], (0,)))
    return h @ p['Wl3'].T + p['bl3']

def setup_inputs(seed: int = 0):
    key = jax.random.key(seed)
    ks = jax.random.split(key, 16)
    points = jax.random.normal(ks[0], (8, 2048, 3), dtype=jnp.float32)
    def w(k, shape):
        return jax.random.normal(k, shape, dtype=jnp.float32) * 0.1
    params = {
        'W1': w(ks[1], (64, 6)), 'g1': jnp.ones((64,), jnp.float32), 'b1': jnp.zeros((64,), jnp.float32),
        'W2': w(ks[2], (64, 128)), 'g2': jnp.ones((64,), jnp.float32), 'b2': jnp.zeros((64,), jnp.float32),
        'W3': w(ks[3], (128, 128)), 'g3': jnp.ones((128,), jnp.float32), 'b3': jnp.zeros((128,), jnp.float32),
        'W4': w(ks[4], (256, 256)), 'g4': jnp.ones((256,), jnp.float32), 'b4': jnp.zeros((256,), jnp.float32),
        'W5': w(ks[5], (1024, 512)), 'g5': jnp.ones((1024,), jnp.float32), 'b5': jnp.zeros((1024,), jnp.float32),
        'Wl1': w(ks[6], (512, 2048)), 'g6': jnp.ones((512,), jnp.float32), 'b6': jnp.zeros((512,), jnp.float32),
        'Wl2': w(ks[7], (256, 512)), 'bl2': jnp.zeros((256,), jnp.float32), 'g7': jnp.ones((256,), jnp.float32), 'b7': jnp.zeros((256,), jnp.float32),
        'Wl3': w(ks[8], (40, 256)), 'bl3': jnp.zeros((40,), jnp.float32),
    }
    return {'points': points, 'params': params}

def reference(points, params):
    return forward(points, params)

if __name__ == "__main__":
    import jax
    _d = setup_inputs()
    print(jax.jit(kernel)(*tuple(_d.values())))

</pallas_src>

<mosaic_0001>
module attributes {stable_mosaic.version = 14 : i64} {
  func.func @_knn_kernel(%arg0: i32, %arg1: i32, %arg2: memref<1x3x2048xf32, #tpu.memory_space<vmem>>, %arg3: memref<1x1x2048xf32, #tpu.memory_space<vmem>>, %arg4: memref<1x256x32xi32, #tpu.memory_space<vmem>>) attributes {dimension_semantics = [#tpu.dimension_semantics<arbitrary>, #tpu.dimension_semantics<arbitrary>], iteration_bounds = array<i64: 8, 8>, scalar_prefetch = 0 : i64, scratch_operands = 0 : i64, tpu.core_type = #tpu.core_type<tc>, window_params = [{transform_indices = @transform_0, window_bounds = array<i64: 1, 3, 2048>}, {transform_indices = @transform_1, window_bounds = array<i64: 1, 1, 2048>}, {transform_indices = @transform_2, window_bounds = array<i64: 1, 256, 32>}]} {
    %get3A = arith.constant 0 : index
    %get3A_0 = arith.constant 0 : index
    %get3A_1 = arith.constant 0 : index
    %get3A_2 = vector.load %arg2[%get3A, %get3A_0, %get3A_1] : memref<1x3x2048xf32, #tpu.memory_space<vmem>>, vector<1x3x2048xf32>
    %get3A_3 = vector.shape_cast %get3A_2 : vector<1x3x2048xf32> to vector<3x2048xf32>
    %convert_element_type3A = arith.truncf %get3A_3 : vector<3x2048xf32> to vector<3x2048xbf16>
    %mul3A = arith.constant 256 : i32
    %mul3A_4 = arith.muli %arg1, %mul3A : i32
    %get3A_5 = arith.constant 0 : index
    %get3A_6 = arith.constant 0 : index
    %get3A_7 = arith.index_cast %mul3A_4 : i32 to index
    %get3A_8 = vector.load %arg2[%get3A_5, %get3A_6, %get3A_7] : memref<1x3x2048xf32, #tpu.memory_space<vmem>>, vector<1x3x256xf32>
    %get3A_9 = vector.shape_cast %get3A_8 : vector<1x3x256xf32> to vector<3x256xf32>
    %convert_element_type3A_10 = arith.truncf %get3A_9 : vector<3x256xf32> to vector<3x256xbf16>
    %dot_general3A = arith.constant dense<0.000000e+00> : vector<256x2048xf32>
    %dot_general3A_11 = tpu.matmul %convert_element_type3A_10, %convert_element_type3A, %dot_general3A {dimension_numbers = #tpu.dot_dimension_numbers<[0], [0], [1], [1], [0, 1, 1, 1], [], []>, transpose_lhs_hint = false} : vector<3x256xbf16>, vector<3x2048xbf16>, vector<256x2048xf32> -> vector<256x2048xf32>
    %mul3A_12 = arith.constant -2.000000e+00 : f32
    %mul3A_13 = vector.broadcast %mul3A_12 : f32 to vector<256x2048xf32>
    %mul3A_14 = arith.mulf %mul3A_13, %dot_general3A_11 : vector<256x2048xf32>
    %mul3A_15 = arith.constant 256 : i32
    %mul3A_16 = arith.muli %arg1, %mul3A_15 : i32
    %get3A_17 = arith.constant 0 : index
    %get3A_18 = arith.constant 0 : index
    %get3A_19 = arith.index_cast %mul3A_16 : i32 to index
    %get3A_20 = vector.load %arg3[%get3A_17, %get3A_18, %get3A_19] : memref<1x1x2048xf32, #tpu.memory_space<vmem>>, vector<1x1x256xf32>
    %get3A_21 = vector.shape_cast %get3A_20 : vector<1x1x256xf32> to vector<256xf32>
    %reshape3A = vector.shape_cast %get3A_21 : vector<256xf32> to vector<256x1xf32>
    %get3A_22 = arith.constant 0 : index
    %get3A_23 = arith.constant 0 : index
    %get3A_24 = arith.constant 0 : index
    %get3A_25 = vector.load %arg3[%get3A_22, %get3A_23, %get3A_24] : memref<1x1x2048xf32, #tpu.memory_space<vmem>>, vector<1x1x2048xf32>
    %get3A_26 = vector.shape_cast %get3A_25 : vector<1x1x2048xf32> to vector<1x2048xf32>
    %neg3A = arith.constant 0.000000e+00 : f32
    %neg3A_27 = vector.broadcast %neg3A : f32 to vector<1x2048xf32>
    %neg3A_28 = arith.subf %neg3A_27, %get3A_26 : vector<1x2048xf32>
    %sub3A = vector.broadcast %neg3A_28 : vector<1x2048xf32> to vector<256x2048xf32>
    %sub3A_29 = arith.subf %sub3A, %mul3A_14 : vector<256x2048xf32>
    %sub3A_30 = vector.broadcast %reshape3A : vector<256x1xf32> to vector<256x2048xf32>
    %sub3A_31 = arith.subf %sub3A_29, %sub3A_30 : vector<256x2048xf32>
    %iota3A = tpu.iota {dimensions = array<i32: 1>} : vector<256x2048xi32>
    %reduce_max3A = arith.constant dense<0xFF800000> : vector<256xf32>
    %reduce_max3A_32 = vector.multi_reduction <maximumf>, %sub3A_31, %reduce_max3A [1] : vector<256x2048xf32> to vector<256xf32>
    %broadcast_in_dim3A = vector.shape_cast %reduce_max3A_32 : vector<256xf32> to vector<256x1xf32>
    %eq3A = vector.broadcast %broadcast_in_dim3A : vector<256x1xf32> to vector<256x2048xf32>
    %eq3A_33 = arith.cmpf oeq, %sub3A_31, %eq3A : vector<256x2048xf32>
    %jit3A = arith.constant 2048 : i32
    %broadcast_in_dim3A_34 = vector.broadcast %jit3A : i32 to vector<256x2048xi32>
    %select_n3A = arith.select %eq3A_33, %iota3A, %broadcast_in_dim3A_34 : vector<256x2048xi1>, vector<256x2048xi32>
    %reduce_min3A = arith.constant dense<2147483647> : vector<256xi32>
    %reduce_min3A_35 = vector.multi_reduction <minsi>, %select_n3A, %reduce_min3A [1] : vector<256x2048xi32> to vector<256xi32>
    %broadcast_in_dim3A_36 = vector.shape_cast %reduce_min3A_35 : vector<256xi32> to vector<256x1xi32>
    %swap3A = arith.constant 0 : index
    %swap3A_37 = arith.constant 0 : index
    %swap3A_38 = arith.constant 0 : index
    %swap3A_39 = vector.load %arg4[%swap3A, %swap3A_37, %swap3A_38] : memref<1x256x32xi32, #tpu.memory_space<vmem>>, vector<1x256x1xi32>
    %swap3A_40 = vector.shape_cast %swap3A_39 : vector<1x256x1xi32> to vector<256x1xi32>
    %swap3A_41 = vector.shape_cast %broadcast_in_dim3A_36 : vector<256x1xi32> to vector<1x256x1xi32>
    tpu.vector_store %arg4[%swap3A, %swap3A_37, %swap3A_38], %swap3A_41 {strides = array<i32>} : memref<1x256x32xi32, #tpu.memory_space<vmem>>, vector<1x256x1xi32>,
    %eq3A_42 = vector.broadcast %broadcast_in_dim3A_36 : vector<256x1xi32> to vector<256x2048xi32>
    %eq3A_43 = arith.cmpi eq, %iota3A, %eq3A_42 : vector<256x2048xi32>
    %jit3A_44 = arith.constant 0xFF800000 : f32
    %broadcast_in_dim3A_45 = vector.broadcast %jit3A_44 : f32 to vector<256x2048xf32>
    %select_n3A_46 = arith.select %eq3A_43, %broadcast_in_dim3A_45, %sub3A_31 : vector<256x2048xi1>, vector<256x2048xf32>
    %reduce_max3A_47 = arith.constant dense<0xFF800000> : vector<256xf32>
    %reduce_max3A_48 = vector.multi_reduction <maximumf>, %select_n3A_46, %reduce_max3A_47 [1] : vector<256x2048xf32> to vector<256xf32>
    %broadcast_in_dim3A_49 = vector.shape_cast %reduce_max3A_48 : vector<256xf32> to vector<256x1xf32>
    %eq3A_50 = vector.broadcast %broadcast_in_dim3A_49 : vector<256x1xf32> to vector<256x2048xf32>
    %eq3A_51 = arith.cmpf oeq, %select_n3A_46, %eq3A_50 : vector<256x2048xf32>
    %jit3A_52 = arith.constant 2048 : i32
    %broadcast_in_dim3A_53 = vector.broadcast %jit3A_52 : i32 to vector<256x2048xi32>
    %select_n3A_54 = arith.select %eq3A_51, %iota3A, %broadcast_in_dim3A_53 : vector<256x2048xi1>, vector<256x2048xi32>
    %reduce_min3A_55 = arith.constant dense<2147483647> : vector<256xi32>
    %reduce_min3A_56 = vector.multi_reduction <minsi>, %select_n3A_54, %reduce_min3A_55 [1] : vector<256x2048xi32> to vector<256xi32>
    %broadcast_in_dim3A_57 = vector.shape_cast %reduce_min3A_56 : vector<256xi32> to vector<256x1xi32>
    %swap3A_58 = arith.constant 0 : index
    %swap3A_59 = arith.constant 0 : index
    %swap3A_60 = arith.constant 1 : index
    %swap3A_61 = vector.load %arg4[%swap3A_58, %swap3A_59, %swap3A_60] : memref<1x256x32xi32, #tpu.memory_space<vmem>>, vector<1x256x1xi32>
    %swap3A_62 = vector.shape_cast %swap3A_61 : vector<1x256x1xi32> to vector<256x1xi32>
    %swap3A_63 = vector.shape_cast %broadcast_in_dim3A_57 : vector<256x1xi32> to vector<1x256x1xi32>
    tpu.vector_store %arg4[%swap3A_58, %swap3A_59, %swap3A_60], %swap3A_63 {strides = array<i32>} : memref<1x256x32xi32, #tpu.memory_space<vmem>>, vector<1x256x1xi32>,
    %eq3A_64 = vector.broadcast %broadcast_in_dim3A_57 : vector<256x1xi32> to vector<256x2048xi32>
    %eq3A_65 = arith.cmpi eq, %iota3A, %eq3A_64 : vector<256x2048xi32>
    %jit3A_66 = arith.constant 0xFF800000 : f32
    %broadcast_in_dim3A_67 = vector.broadcast %jit3A_66 : f32 to vector<256x2048xf32>
    %select_n3A_68 = arith.select %eq3A_65, %broadcast_in_dim3A_67, %select_n3A_46 : vector<256x2048xi1>, vector<256x2048xf32>
    %reduce_max3A_69 = arith.constant dense<0xFF800000> : vector<256xf32>
    %reduce_max3A_70 = vector.multi_reduction <maximumf>, %select_n3A_68, %reduce_max3A_69 [1] : vector<256x2048xf32> to vector<256xf32>
    %broadcast_in_dim3A_71 = vector.shape_cast %reduce_max3A_70 : vector<256xf32> to vector<256x1xf32>
    %eq3A_72 = vector.broadcast %broadcast_in_dim3A_71 : vector<256x1xf32> to vector<256x2048xf32>
    %eq3A_73 = arith.cmpf oeq, %select_n3A_68, %eq3A_72 : vector<256x2048xf32>
    %jit3A_74 = arith.constant 2048 : i32
    %broadcast_in_dim3A_75 = vector.broadcast %jit3A_74 : i32 to vector<256x2048xi32>
    %select_n3A_76 = arith.select %eq3A_73, %iota3A, %broadcast_in_dim3A_75 : vector<256x2048xi1>, vector<256x2048xi32>
    %reduce_min3A_77 = arith.constant dense<2147483647> : vector<256xi32>
    %reduce_min3A_78 = vector.multi_reduction <minsi>, %select_n3A_76, %reduce_min3A_77 [1] : vector<256x2048xi32> to vector<256xi32>
    %broadcast_in_dim3A_79 = vector.shape_cast %reduce_min3A_78 : vector<256xi32> to vector<256x1xi32>
    %swap3A_80 = arith.constant 0 : index
    %swap3A_81 = arith.constant 0 : index
    %swap3A_82 = arith.constant 2 : index
    %swap3A_83 = vector.load %arg4[%swap3A_80, %swap3A_81, %swap3A_82] : memref<1x256x32xi32, #tpu.memory_space<vmem>>, vector<1x256x1xi32>
    %swap3A_84 = vector.shape_cast %swap3A_83 : vector<1x256x1xi32> to vector<256x1xi32>
    %swap3A_85 = vector.shape_cast %broadcast_in_dim3A_79 : vector<256x1xi32> to vector<1x256x1xi32>
    tpu.vector_store %arg4[%swap3A_80, %swap3A_81, %swap3A_82], %swap3A_85 {strides = array<i32>} : memref<1x256x32xi32, #tpu.memory_space<vmem>>, vector<1x256x1xi32>,
    %eq3A_86 = vector.broadcast %broadcast_in_dim3A_79 : vector<256x1xi32> to vector<256x2048xi32>
    %eq3A_87 = arith.cmpi eq, %iota3A, %eq3A_86 : vector<256x2048xi32>
    %jit3A_88 = arith.constant 0xFF800000 : f32
    %broadcast_in_dim3A_89 = vector.broadcast %jit3A_88 : f32 to vector<256x2048xf32>
    %select_n3A_90 = arith.select %eq3A_87, %broadcast_in_dim3A_89, %select_n3A_68 : vector<256x2048xi1>, vector<256x2048xf32>
    %reduce_max3A_91 = arith.constant dense<0xFF800000> : vector<256xf32>
    %reduce_max3A_92 = vector.multi_reduction <maximumf>, %select_n3A_90, %reduce_max3A_91 [1] : vector<256x2048xf32> to vector<256xf32>
    %broadcast_in_dim3A_93 = vector.shape_cast %reduce_max3A_92 : vector<256xf32> to vector<256x1xf32>
    %eq3A_94 = vector.broadcast %broadcast_in_dim3A_93 : vector<256x1xf32> to vector<256x2048xf32>
    %eq3A_95 = arith.cmpf oeq, %select_n3A_90, %eq3A_94 : vector<256x2048xf32>
    %jit3A_96 = arith.constant 2048 : i32
    %broadcast_in_dim3A_97 = vector.broadcast %jit3A_96 : i32 to vector<256x2048xi32>
    %select_n3A_98 = arith.select %eq3A_95, %iota3A, %broadcast_in_dim3A_97 : vector<256x2048xi1>, vector<256x2048xi32>
    %reduce_min3A_99 = arith.constant dense<2147483647> : vector<256xi32>
    %reduce_min3A_100 = vector.multi_reduction <minsi>, %select_n3A_98, %reduce_min3A_99 [1] : vector<256x2048xi32> to vector<256xi32>
    %broadcast_in_dim3A_101 = vector.shape_cast %reduce_min3A_100 : vector<256xi32> to vector<256x1xi32>
    %swap3A_102 = arith.constant 0 : index
    %swap3A_103 = arith.constant 0 : index
    %swap3A_104 = arith.constant 3 : index
    %swap3A_105 = vector.load %arg4[%swap3A_102, %swap3A_103, %swap3A_104] : memref<1x256x32xi32, #tpu.memory_space<vmem>>, vector<1x256x1xi32>
    %swap3A_106 = vector.shape_cast %swap3A_105 : vector<1x256x1xi32> to vector<256x1xi32>
    %swap3A_107 = vector.shape_cast %broadcast_in_dim3A_101 : vector<256x1xi32> to vector<1x256x1xi32>
    tpu.vector_store %arg4[%swap3A_102, %swap3A_103, %swap3A_104], %swap3A_107 {strides = array<i32>} : memref<1x256x32xi32, #tpu.memory_space<vmem>>, vector<1x256x1xi32>,
    %eq3A_108 = vector.broadcast %broadcast_in_dim3A_101 : vector<256x1xi32> to vector<256x2048xi32>
    %eq3A_109 = arith.cmpi eq, %iota3A, %eq3A_108 : vector<256x2048xi32>
    %jit3A_110 = arith.constant 0xFF800000 : f32
    %broadcast_in_dim3A_111 = vector.broadcast %jit3A_110 : f32 to vector<256x2048xf32>
    %select_n3A_112 = arith.select %eq3A_109, %broadcast_in_dim3A_111, %select_n3A_90 : vector<256x2048xi1>, vector<256x2048xf32>
    %reduce_max3A_113 = arith.constant dense<0xFF800000> : vector<256xf32>
    %reduce_max3A_114 = vector.multi_reduction <maximumf>, %select_n3A_112, %reduce_max3A_113 [1] : vector<256x2048xf32> to vector<256xf32>
    %broadcast_in_dim3A_115 = vector.shape_cast %reduce_max3A_114 : vector<256xf32> to vector<256x1xf32>
    %eq3A_116 = vector.broadcast %broadcast_in_dim3A_115 : vector<256x1xf32> to vector<256x2048xf32>
    %eq3A_117 = arith.cmpf oeq, %select_n3A_112, %eq3A_116 : vector<256x2048xf32>
    %jit3A_118 = arith.constant 2048 : i32
    %broadcast_in_dim3A_119 = vector.broadcast %jit3A_118 : i32 to vector<256x2048xi32>
    %select_n3A_120 = arith.select %eq3A_117, %iota3A, %broadcast_in_dim3A_119 : vector<256x2048xi1>, vector<256x2048xi32>
    %reduce_min3A_121 = arith.constant dense<2147483647> : vector<256xi32>
    %reduce_min3A_122 = vector.multi_reduction <minsi>, %select_n3A_120, %reduce_min3A_121 [1] : vector<256x2048xi32> to vector<256xi32>
    %broadcast_in_dim3A_123 = vector.shape_cast %reduce_min3A_122 : vector<256xi32> to vector<256x1xi32>
    %swap3A_124 = arith.constant 0 : index
    %swap3A_125 = arith.constant 0 : index
    %swap3A_126 = arith.constant 4 : index
    %swap3A_127 = vector.load %arg4[%swap3A_124, %swap3A_125, %swap3A_126] : memref<1x256x32xi32, #tpu.memory_space<vmem>>, vector<1x256x1xi32>
    %swap3A_128 = vector.shape_cast %swap3A_127 : vector<1x256x1xi32> to vector<256x1xi32>
    %swap3A_129 = vector.shape_cast %broadcast_in_dim3A_123 : vector<256x1xi32> to vector<1x256x1xi32>
    tpu.vector_store %arg4[%swap3A_124, %swap3A_125, %swap3A_126], %swap3A_129 {strides = array<i32>} : memref<1x256x32xi32, #tpu.memory_space<vmem>>, vector<1x256x1xi32>,
    %eq3A_130 = vector.broadcast %broadcast_in_dim3A_123 : vector<256x1xi32> to vector<256x2048xi32>
    %eq3A_131 = arith.cmpi eq, %iota3A, %eq3A_130 : vector<256x2048xi32>
    %jit3A_132 = arith.constant 0xFF800000 : f32
    %broadcast_in_dim3A_133 = vector.broadcast %jit3A_132 : f32 to vector<256x2048xf32>
    %select_n3A_134 = arith.select %eq3A_131, %broadcast_in_dim3A_133, %select_n3A_112 : vector<256x2048xi1>, vector<256x2048xf32>
    %reduce_max3A_135 = arith.constant dense<0xFF800000> : vector<256xf32>
    %reduce_max3A_136 = vector.multi_reduction <maximumf>, %select_n3A_134, %reduce_max3A_135 [1] : vector<256x2048xf32> to vector<256xf32>
    %broadcast_in_dim3A_137 = vector.shape_cast %reduce_max3A_136 : vector<256xf32> to vector<256x1xf32>
    %eq3A_138 = vector.broadcast %broadcast_in_dim3A_137 : vector<256x1xf32> to vector<256x2048xf32>
    %eq3A_139 = arith.cmpf oeq, %select_n3A_134, %eq3A_138 : vector<256x2048xf32>
    %jit3A_140 = arith.constant 2048 : i32
    %broadcast_in_dim3A_141 = vector.broadcast %jit3A_140 : i32 to vector<256x2048xi32>
    %select_n3A_142 = arith.select %eq3A_139, %iota3A, %broadcast_in_dim3A_141 : vector<256x2048xi1>, vector<256x2048xi32>
    %reduce_min3A_143 = arith.constant dense<2147483647> : vector<256xi32>
    %reduce_min3A_144 = vector.multi_reduction <minsi>, %select_n3A_142, %reduce_min3A_143 [1] : vector<256x2048xi32> to vector<256xi32>
    %broadcast_in_dim3A_145 = vector.shape_cast %reduce_min3A_144 : vector<256xi32> to vector<256x1xi32>
    %swap3A_146 = arith.constant 0 : index
    %swap3A_147 = arith.constant 0 : index
    %swap3A_148 = arith.constant 5 : index
    %swap3A_149 = vector.load %arg4[%swap3A_146, %swap3A_147, %swap3A_148] : memref<1x256x32xi32, #tpu.memory_space<vmem>>, vector<1x256x1xi32>
    %swap3A_150 = vector.shape_cast %swap3A_149 : vector<1x256x1xi32> to vector<256x1xi32>
    %swap3A_151 = vector.shape_cast %broadcast_in_dim3A_145 : vector<256x1xi32> to vector<1x256x1xi32>
    tpu.vector_store %arg4[%swap3A_146, %swap3A_147, %swap3A_148], %swap3A_151 {strides = array<i32>} : memref<1x256x32xi32, #tpu.memory_space<vmem>>, vector<1x256x1xi32>,
    %eq3A_152 = vector.broadcast %broadcast_in_dim3A_145 : vector<256x1xi32> to vector<256x2048xi32>
    %eq3A_153 = arith.cmpi eq, %iota3A, %eq3A_152 : vector<256x2048xi32>
    %jit3A_154 = arith.constant 0xFF800000 : f32
    %broadcast_in_dim3A_155 = vector.broadcast %jit3A_154 : f32 to vector<256x2048xf32>
    %select_n3A_156 = arith.select %eq3A_153, %broadcast_in_dim3A_155, %select_n3A_134 : vector<256x2048xi1>, vector<256x2048xf32>
    %reduce_max3A_157 = arith.constant dense<0xFF800000> : vector<256xf32>
    %reduce_max3A_158 = vector.multi_reduction <maximumf>, %select_n3A_156, %reduce_max3A_157 [1] : vector<256x2048xf32> to vector<256xf32>
    %broadcast_in_dim3A_159 = vector.shape_cast %reduce_max3A_158 : vector<256xf32> to vector<256x1xf32>
    %eq3A_160 = vector.broadcast %broadcast_in_dim3A_159 : vector<256x1xf32> to vector<256x2048xf32>
    %eq3A_161 = arith.cmpf oeq, %select_n3A_156, %eq3A_160 : vector<256x2048xf32>
    %jit3A_162 = arith.constant 2048 : i32
    %broadcast_in_dim3A_163 = vector.broadcast %jit3A_162 : i32 to vector<256x2048xi32>
    %select_n3A_164 = arith.select %eq3A_161, %iota3A, %broadcast_in_dim3A_163 : vector<256x2048xi1>, vector<256x2048xi32>
    %reduce_min3A_165 = arith.constant dense<2147483647> : vector<256xi32>
    %reduce_min3A_166 = vector.multi_reduction <minsi>, %select_n3A_164, %reduce_min3A_165 [1] : vector<256x2048xi32> to vector<256xi32>
    %broadcast_in_dim3A_167 = vector.shape_cast %reduce_min3A_166 : vector<256xi32> to vector<256x1xi32>
    %swap3A_168 = arith.constant 0 : index
    %swap3A_169 = arith.constant 0 : index
    %swap3A_170 = arith.constant 6 : index
    %swap3A_171 = vector.load %arg4[%swap3A_168, %swap3A_169, %swap3A_170] : memref<1x256x32xi32, #tpu.memory_space<vmem>>, vector<1x256x1xi32>
    %swap3A_172 = vector.shape_cast %swap3A_171 : vector<1x256x1xi32> to vector<256x1xi32>
    %swap3A_173 = vector.shape_cast %broadcast_in_dim3A_167 : vector<256x1xi32> to vector<1x256x1xi32>
    tpu.vector_store %arg4[%swap3A_168, %swap3A_169, %swap3A_170], %swap3A_173 {strides = array<i32>} : memref<1x256x32xi32, #tpu.memory_space<vmem>>, vector<1x256x1xi32>,
    %eq3A_174 = vector.broadcast %broadcast_in_dim3A_167 : vector<256x1xi32> to vector<256x2048xi32>
    %eq3A_175 = arith.cmpi eq, %iota3A, %eq3A_174 : vector<256x2048xi32>
    %jit3A_176 = arith.constant 0xFF800000 : f32
    %broadcast_in_dim3A_177 = vector.broadcast %jit3A_176 : f32 to vector<256x2048xf32>
    %select_n3A_178 = arith.select %eq3A_175, %broadcast_in_dim3A_177, %select_n3A_156 : vector<256x2048xi1>, vector<256x2048xf32>
    %reduce_max3A_179 = arith.constant dense<0xFF800000> : vector<256xf32>
    %reduce_max3A_180 = vector.multi_reduction <maximumf>, %select_n3A_178, %reduce_max3A_179 [1] : vector<256x2048xf32> to vector<256xf32>
    %broadcast_in_dim3A_181 = vector.shape_cast %reduce_max3A_180 : vector<256xf32> to vector<256x1xf32>
    %eq3A_182 = vector.broadcast %broadcast_in_dim3A_181 : vector<256x1xf32> to vector<256x2048xf32>
    %eq3A_183 = arith.cmpf oeq, %select_n3A_178, %eq3A_182 : vector<256x2048xf32>
    %jit3A_184 = arith.constant 2048 : i32
    %broadcast_in_dim3A_185 = vector.broadcast %jit3A_184 : i32 to vector<256x2048xi32>
    %select_n3A_186 = arith.select %eq3A_183, %iota3A, %broadcast_in_dim3A_185 : vector<256x2048xi1>, vector<256x2048xi32>
    %reduce_min3A_187 = arith.constant dense<2147483647> : vector<256xi32>
    %reduce_min3A_188 = vector.multi_reduction <minsi>, %select_n3A_186, %reduce_min3A_187 [1] : vector<256x2048xi32> to vector<256xi32>
    %broadcast_in_dim3A_189 = vector.shape_cast %reduce_min3A_188 : vector<256xi32> to vector<256x1xi32>
    %swap3A_190 = arith.constant 0 : index
    %swap3A_191 = arith.constant 0 : index
    %swap3A_192 = arith.constant 7 : index
    %swap3A_193 = vector.load %arg4[%swap3A_190, %swap3A_191, %swap3A_192] : memref<1x256x32xi32, #tpu.memory_space<vmem>>, vector<1x256x1xi32>
    %swap3A_194 = vector.shape_cast %swap3A_193 : vector<1x256x1xi32> to vector<256x1xi32>
    %swap3A_195 = vector.shape_cast %broadcast_in_dim3A_189 : vector<256x1xi32> to vector<1x256x1xi32>
    tpu.vector_store %arg4[%swap3A_190, %swap3A_191, %swap3A_192], %swap3A_195 {strides = array<i32>} : memref<1x256x32xi32, #tpu.memory_space<vmem>>, vector<1x256x1xi32>,
    %eq3A_196 = vector.broadcast %broadcast_in_dim3A_189 : vector<256x1xi32> to vector<256x2048xi32>
    %eq3A_197 = arith.cmpi eq, %iota3A, %eq3A_196 : vector<256x2048xi32>
    %jit3A_198 = arith.constant 0xFF800000 : f32
    %broadcast_in_dim3A_199 = vector.broadcast %jit3A_198 : f32 to vector<256x2048xf32>
    %select_n3A_200 = arith.select %eq3A_197, %broadcast_in_dim3A_199, %select_n3A_178 : vector<256x2048xi1>, vector<256x2048xf32>
    %reduce_max3A_201 = arith.constant dense<0xFF800000> : vector<256xf32>
    %reduce_max3A_202 = vector.multi_reduction <maximumf>, %select_n3A_200, %reduce_max3A_201 [1] : vector<256x2048xf32> to vector<256xf32>
    %broadcast_in_dim3A_203 = vector.shape_cast %reduce_max3A_202 : vector<256xf32> to vector<256x1xf32>
    %eq3A_204 = vector.broadcast %broadcast_in_dim3A_203 : vector<256x1xf32> to vector<256x2048xf32>
    %eq3A_205 = arith.cmpf oeq, %select_n3A_200, %eq3A_204 : vector<256x2048xf32>
    %jit3A_206 = arith.constant 2048 : i32
    %broadcast_in_dim3A_207 = vector.broadcast %jit3A_206 : i32 to vector<256x2048xi32>
    %select_n3A_208 = arith.select %eq3A_205, %iota3A, %broadcast_in_dim3A_207 : vector<256x2048xi1>, vector<256x2048xi32>
    %reduce_min3A_209 = arith.constant dense<2147483647> : vector<256xi32>
    %reduce_min3A_210 = vector.multi_reduction <minsi>, %select_n3A_208, %reduce_min3A_209 [1] : vector<256x2048xi32> to vector<256xi32>
    %broadcast_in_dim3A_211 = vector.shape_cast %reduce_min3A_210 : vector<256xi32> to vector<256x1xi32>
    %swap3A_212 = arith.constant 0 : index
    %swap3A_213 = arith.constant 0 : index
    %swap3A_214 = arith.constant 8 : index
    %swap3A_215 = vector.load %arg4[%swap3A_212, %swap3A_213, %swap3A_214] : memref<1x256x32xi32, #tpu.memory_space<vmem>>, vector<1x256x1xi32>
    %swap3A_216 = vector.shape_cast %swap3A_215 : vector<1x256x1xi32> to vector<256x1xi32>
    %swap3A_217 = vector.shape_cast %broadcast_in_dim3A_211 : vector<256x1xi32> to vector<1x256x1xi32>
    tpu.vector_store %arg4[%swap3A_212, %swap3A_213, %swap3A_214], %swap3A_217 {strides = array<i32>} : memref<1x256x32xi32, #tpu.memory_space<vmem>>, vector<1x256x1xi32>,
    %eq3A_218 = vector.broadcast %broadcast_in_dim3A_211 : vector<256x1xi32> to vector<256x2048xi32>
    %eq3A_219 = arith.cmpi eq, %iota3A, %eq3A_218 : vector<256x2048xi32>
    %jit3A_220 = arith.constant 0xFF800000 : f32
    %broadcast_in_dim3A_221 = vector.broadcast %jit3A_220 : f32 to vector<256x2048xf32>
    %select_n3A_222 = arith.select %eq3A_219, %broadcast_in_dim3A_221, %select_n3A_200 : vector<256x2048xi1>, vector<256x2048xf32>
    %reduce_max3A_223 = arith.constant dense<0xFF800000> : vector<256xf32>
    %reduce_max3A_224 = vector.multi_reduction <maximumf>, %select_n3A_222, %reduce_max3A_223 [1] : vector<256x2048xf32> to vector<256xf32>
    %broadcast_in_dim3A_225 = vector.shape_cast %reduce_max3A_224 : vector<256xf32> to vector<256x1xf32>
    %eq3A_226 = vector.broadcast %broadcast_in_dim3A_225 : vector<256x1xf32> to vector<256x2048xf32>
    %eq3A_227 = arith.cmpf oeq, %select_n3A_222, %eq3A_226 : vector<256x2048xf32>
    %jit3A_228 = arith.constant 2048 : i32
    %broadcast_in_dim3A_229 = vector.broadcast %jit3A_228 : i32 to vector<256x2048xi32>
    %select_n3A_230 = arith.select %eq3A_227, %iota3A, %broadcast_in_dim3A_229 : vector<256x2048xi1>, vector<256x2048xi32>
    %reduce_min3A_231 = arith.constant dense<2147483647> : vector<256xi32>
    %reduce_min3A_232 = vector.multi_reduction <minsi>, %select_n3A_230, %reduce_min3A_231 [1] : vector<256x2048xi32> to vector<256xi32>
    %broadcast_in_dim3A_233 = vector.shape_cast %reduce_min3A_232 : vector<256xi32> to vector<256x1xi32>
    %swap3A_234 = arith.constant 0 : index
    %swap3A_235 = arith.constant 0 : index
    %swap3A_236 = arith.constant 9 : index
    %swap3A_237 = vector.load %arg4[%swap3A_234, %swap3A_235, %swap3A_236] : memref<1x256x32xi32, #tpu.memory_space<vmem>>, vector<1x256x1xi32>
    %swap3A_238 = vector.shape_cast %swap3A_237 : vector<1x256x1xi32> to vector<256x1xi32>
    %swap3A_239 = vector.shape_cast %broadcast_in_dim3A_233 : vector<256x1xi32> to vector<1x256x1xi32>
    tpu.vector_store %arg4[%swap3A_234, %swap3A_235, %swap3A_236], %swap3A_239 {strides = array<i32>} : memref<1x256x32xi32, #tpu.memory_space<vmem>>, vector<1x256x1xi32>,
    %eq3A_240 = vector.broadcast %broadcast_in_dim3A_233 : vector<256x1xi32> to vector<256x2048xi32>
    %eq3A_241 = arith.cmpi eq, %iota3A, %eq3A_240 : vector<256x2048xi32>
    %jit3A_242 = arith.constant 0xFF800000 : f32
    %broadcast_in_dim3A_243 = vector.broadcast %jit3A_242 : f32 to vector<256x2048xf32>
    %select_n3A_244 = arith.select %eq3A_241, %broadcast_in_dim3A_243, %select_n3A_222 : vector<256x2048xi1>, vector<256x2048xf32>
    %reduce_max3A_245 = arith.constant dense<0xFF800000> : vector<256xf32>
    %reduce_max3A_246 = vector.multi_reduction <maximumf>, %select_n3A_244, %reduce_max3A_245 [1] : vector<256x2048xf32> to vector<256xf32>
    %broadcast_in_dim3A_247 = vector.shape_cast %reduce_max3A_246 : vector<256xf32> to vector<256x1xf32>
    %eq3A_248 = vector.broadcast %broadcast_in_dim3A_247 : vector<256x1xf32> to vector<256x2048xf32>
    %eq3A_249 = arith.cmpf oeq, %select_n3A_244, %eq3A_248 : vector<256x2048xf32>
    %jit3A_250 = arith.constant 2048 : i32
    %broadcast_in_dim3A_251 = vector.broadcast %jit3A_250 : i32 to vector<256x2048xi32>
    %select_n3A_252 = arith.select %eq3A_249, %iota3A, %broadcast_in_dim3A_251 : vector<256x2048xi1>, vector<256x2048xi32>
    %reduce_min3A_253 = arith.constant dense<2147483647> : vector<256xi32>
    %reduce_min3A_254 = vector.multi_reduction <minsi>, %select_n3A_252, %reduce_min3A_253 [1] : vector<256x2048xi32> to vector<256xi32>
    %broadcast_in_dim3A_255 = vector.shape_cast %reduce_min3A_254 : vector<256xi32> to vector<256x1xi32>
    %swap3A_256 = arith.constant 0 : index
    %swap3A_257 = arith.constant 0 : index
    %swap3A_258 = arith.constant 10 : index
    %swap3A_259 = vector.load %arg4[%swap3A_256, %swap3A_257, %swap3A_258] : memref<1x256x32xi32, #tpu.memory_space<vmem>>, vector<1x256x1xi32>
    %swap3A_260 = vector.shape_cast %swap3A_259 : vector<1x256x1xi32> to vector<256x1xi32>
    %swap3A_261 = vector.shape_cast %broadcast_in_dim3A_255 : vector<256x1xi32> to vector<1x256x1xi32>
    tpu.vector_store %arg4[%swap3A_256, %swap3A_257, %swap3A_258], %swap3A_261 {strides = array<i32>} : memref<1x256x32xi32, #tpu.memory_space<vmem>>, vector<1x256x1xi32>,
    %eq3A_262 = vector.broadcast %broadcast_in_dim3A_255 : vector<256x1xi32> to vector<256x2048xi32>
    %eq3A_263 = arith.cmpi eq, %iota3A, %eq3A_262 : vector<256x2048xi32>
    %jit3A_264 = arith.constant 0xFF800000 : f32
    %broadcast_in_dim3A_265 = vector.broadcast %jit3A_264 : f32 to vector<256x2048xf32>
    %select_n3A_266 = arith.select %eq3A_263, %broadcast_in_dim3A_265, %select_n3A_244 : vector<256x2048xi1>, vector<256x2048xf32>
    %reduce_max3A_267 = arith.constant dense<0xFF800000> : vector<256xf32>
    %reduce_max3A_268 = vector.multi_reduction <maximumf>, %select_n3A_266, %reduce_max3A_267 [1] : vector<256x2048xf32> to vector<256xf32>
    %broadcast_in_dim3A_269 = vector.shape_cast %reduce_max3A_268 : vector<256xf32> to vector<256x1xf32>
    %eq3A_270 = vector.broadcast %broadcast_in_dim3A_269 : vector<256x1xf32> to vector<256x2048xf32>
    %eq3A_271 = arith.cmpf oeq, %select_n3A_266, %eq3A_270 : vector<256x2048xf32>
    %jit3A_272 = arith.constant 2048 : i32
    %broadcast_in_dim3A_273 = vector.broadcast %jit3A_272 : i32 to vector<256x2048xi32>
    %select_n3A_274 = arith.select %eq3A_271, %iota3A, %broadcast_in_dim3A_273 : vector<256x2048xi1>, vector<256x2048xi32>
    %reduce_min3A_275 = arith.constant dense<2147483647> : vector<256xi32>
    %reduce_min3A_276 = vector.multi_reduction <minsi>, %select_n3A_274, %reduce_min3A_275 [1] : vector<256x2048xi32> to vector<256xi32>
    %broadcast_in_dim3A_277 = vector.shape_cast %reduce_min3A_276 : vector<256xi32> to vector<256x1xi32>
    %swap3A_278 = arith.constant 0 : index
    %swap3A_279 = arith.constant 0 : index
    %swap3A_280 = arith.constant 11 : index
    %swap3A_281 = vector.load %arg4[%swap3A_278, %swap3A_279, %swap3A_280] : memref<1x256x32xi32, #tpu.memory_space<vmem>>, vector<1x256x1xi32>
    %swap3A_282 = vector.shape_cast %swap3A_281 : vector<1x256x1xi32> to vector<256x1xi32>
    %swap3A_283 = vector.shape_cast %broadcast_in_dim3A_277 : vector<256x1xi32> to vector<1x256x1xi32>
    tpu.vector_store %arg4[%swap3A_278, %swap3A_279, %swap3A_280], %swap3A_283 {strides = array<i32>} : memref<1x256x32xi32, #tpu.memory_space<vmem>>, vector<1x256x1xi32>,
    %eq3A_284 = vector.broadcast %broadcast_in_dim3A_277 : vector<256x1xi32> to vector<256x2048xi32>
    %eq3A_285 = arith.cmpi eq, %iota3A, %eq3A_284 : vector<256x2048xi32>
    %jit3A_286 = arith.constant 0xFF800000 : f32
    %broadcast_in_dim3A_287 = vector.broadcast %jit3A_286 : f32 to vector<256x2048xf32>
    %select_n3A_288 = arith.select %eq3A_285, %broadcast_in_dim3A_287, %select_n3A_266 : vector<256x2048xi1>, vector<256x2048xf32>
    %reduce_max3A_289 = arith.constant dense<0xFF800000> : vector<256xf32>
    %reduce_max3A_290 = vector.multi_reduction <maximumf>, %select_n3A_288, %reduce_max3A_289 [1] : vector<256x2048xf32> to vector<256xf32>
    %broadcast_in_dim3A_291 = vector.shape_cast %reduce_max3A_290 : vector<256xf32> to vector<256x1xf32>
    %eq3A_292 = vector.broadcast %broadcast_in_dim3A_291 : vector<256x1xf32> to vector<256x2048xf32>
    %eq3A_293 = arith.cmpf oeq, %select_n3A_288, %eq3A_292 : vector<256x2048xf32>
    %jit3A_294 = arith.constant 2048 : i32
    %broadcast_in_dim3A_295 = vector.broadcast %jit3A_294 : i32 to vector<256x2048xi32>
    %select_n3A_296 = arith.select %eq3A_293, %iota3A, %broadcast_in_dim3A_295 : vector<256x2048xi1>, vector<256x2048xi32>
    %reduce_min3A_297 = arith.constant dense<2147483647> : vector<256xi32>
    %reduce_min3A_298 = vector.multi_reduction <minsi>, %select_n3A_296, %reduce_min3A_297 [1] : vector<256x2048xi32> to vector<256xi32>
    %broadcast_in_dim3A_299 = vector.shape_cast %reduce_min3A_298 : vector<256xi32> to vector<256x1xi32>
    %swap3A_300 = arith.constant 0 : index
    %swap3A_301 = arith.constant 0 : index
    %swap3A_302 = arith.constant 12 : index
    %swap3A_303 = vector.load %arg4[%swap3A_300, %swap3A_301, %swap3A_302] : memref<1x256x32xi32, #tpu.memory_space<vmem>>, vector<1x256x1xi32>
    %swap3A_304 = vector.shape_cast %swap3A_303 : vector<1x256x1xi32> to vector<256x1xi32>
    %swap3A_305 = vector.shape_cast %broadcast_in_dim3A_299 : vector<256x1xi32> to vector<1x256x1xi32>
    tpu.vector_store %arg4[%swap3A_300, %swap3A_301, %swap3A_302], %swap3A_305 {strides = array<i32>} : memref<1x256x32xi32, #tpu.memory_space<vmem>>, vector<1x256x1xi32>,
    %eq3A_306 = vector.broadcast %broadcast_in_dim3A_299 : vector<256x1xi32> to vector<256x2048xi32>
    %eq3A_307 = arith.cmpi eq, %iota3A, %eq3A_306 : vector<256x2048xi32>
    %jit3A_308 = arith.constant 0xFF800000 : f32
    %broadcast_in_dim3A_309 = vector.broadcast %jit3A_308 : f32 to vector<256x2048xf32>
    %select_n3A_310 = arith.select %eq3A_307, %broadcast_in_dim3A_309, %select_n3A_288 : vector<256x2048xi1>, vector<256x2048xf32>
    %reduce_max3A_311 = arith.constant dense<0xFF800000> : vector<256xf32>
    %reduce_max3A_312 = vector.multi_reduction <maximumf>, %select_n3A_310, %reduce_max3A_311 [1] : vector<256x2048xf32> to vector<256xf32>
    %broadcast_in_dim3A_313 = vector.shape_cast %reduce_max3A_312 : vector<256xf32> to vector<256x1xf32>
    %eq3A_314 = vector.broadcast %broadcast_in_dim3A_313 : vector<256x1xf32> to vector<256x2048xf32>
    %eq3A_315 = arith.cmpf oeq, %select_n3A_310, %eq3A_314 : vector<256x2048xf32>
    %jit3A_316 = arith.constant 2048 : i32
    %broadcast_in_dim3A_317 = vector.broadcast %jit3A_316 : i32 to vector<256x2048xi32>
    %select_n3A_318 = arith.select %eq3A_315, %iota3A, %broadcast_in_dim3A_317 : vector<256x2048xi1>, vector<256x2048xi32>
    %reduce_min3A_319 = arith.constant dense<2147483647> : vector<256xi32>
    %reduce_min3A_320 = vector.multi_reduction <minsi>, %select_n3A_318, %reduce_min3A_319 [1] : vector<256x2048xi32> to vector<256xi32>
    %broadcast_in_dim3A_321 = vector.shape_cast %reduce_min3A_320 : vector<256xi32> to vector<256x1xi32>
    %swap3A_322 = arith.constant 0 : index
    %swap3A_323 = arith.constant 0 : index
    %swap3A_324 = arith.constant 13 : index
    %swap3A_325 = vector.load %arg4[%swap3A_322, %swap3A_323, %swap3A_324] : memref<1x256x32xi32, #tpu.memory_space<vmem>>, vector<1x256x1xi32>
    %swap3A_326 = vector.shape_cast %swap3A_325 : vector<1x256x1xi32> to vector<256x1xi32>
    %swap3A_327 = vector.shape_cast %broadcast_in_dim3A_321 : vector<256x1xi32> to vector<1x256x1xi32>
    tpu.vector_store %arg4[%swap3A_322, %swap3A_323, %swap3A_324], %swap3A_327 {strides = array<i32>} : memref<1x256x32xi32, #tpu.memory_space<vmem>>, vector<1x256x1xi32>,
    %eq3A_328 = vector.broadcast %broadcast_in_dim3A_321 : vector<256x1xi32> to vector<256x2048xi32>
    %eq3A_329 = arith.cmpi eq, %iota3A, %eq3A_328 : vector<256x2048xi32>
    %jit3A_330 = arith.constant 0xFF800000 : f32
    %broadcast_in_dim3A_331 = vector.broadcast %jit3A_330 : f32 to vector<256x2048xf32>
    %select_n3A_332 = arith.select %eq3A_329, %broadcast_in_dim3A_331, %select_n3A_310 : vector<256x2048xi1>, vector<256x2048xf32>
    %reduce_max3A_333 = arith.constant dense<0xFF800000> : vector<256xf32>
    %reduce_max3A_334 = vector.multi_reduction <maximumf>, %select_n3A_332, %reduce_max3A_333 [1] : vector<256x2048xf32> to vector<256xf32>
    %broadcast_in_dim3A_335 = vector.shape_cast %reduce_max3A_334 : vector<256xf32> to vector<256x1xf32>
    %eq3A_336 = vector.broadcast %broadcast_in_dim3A_335 : vector<256x1xf32> to vector<256x2048xf32>
    %eq3A_337 = arith.cmpf oeq, %select_n3A_332, %eq3A_336 : vector<256x2048xf32>
    %jit3A_338 = arith.constant 2048 : i32
    %broadcast_in_dim3A_339 = vector.broadcast %jit3A_338 : i32 to vector<256x2048xi32>
    %select_n3A_340 = arith.select %eq3A_337, %iota3A, %broadcast_in_dim3A_339 : vector<256x2048xi1>, vector<256x2048xi32>
    %reduce_min3A_341 = arith.constant dense<2147483647> : vector<256xi32>
    %reduce_min3A_342 = vector.multi_reduction <minsi>, %select_n3A_340, %reduce_min3A_341 [1] : vector<256x2048xi32> to vector<256xi32>
    %broadcast_in_dim3A_343 = vector.shape_cast %reduce_min3A_342 : vector<256xi32> to vector<256x1xi32>
    %swap3A_344 = arith.constant 0 : index
    %swap3A_345 = arith.constant 0 : index
    %swap3A_346 = arith.constant 14 : index
    %swap3A_347 = vector.load %arg4[%swap3A_344, %swap3A_345, %swap3A_346] : memref<1x256x32xi32, #tpu.memory_space<vmem>>, vector<1x256x1xi32>
    %swap3A_348 = vector.shape_cast %swap3A_347 : vector<1x256x1xi32> to vector<256x1xi32>
    %swap3A_349 = vector.shape_cast %broadcast_in_dim3A_343 : vector<256x1xi32> to vector<1x256x1xi32>
    tpu.vector_store %arg4[%swap3A_344, %swap3A_345, %swap3A_346], %swap3A_349 {strides = array<i32>} : memref<1x256x32xi32, #tpu.memory_space<vmem>>, vector<1x256x1xi32>,
    %eq3A_350 = vector.broadcast %broadcast_in_dim3A_343 : vector<256x1xi32> to vector<256x2048xi32>
    %eq3A_351 = arith.cmpi eq, %iota3A, %eq3A_350 : vector<256x2048xi32>
    %jit3A_352 = arith.constant 0xFF800000 : f32
    %broadcast_in_dim3A_353 = vector.broadcast %jit3A_352 : f32 to vector<256x2048xf32>
    %select_n3A_354 = arith.select %eq3A_351, %broadcast_in_dim3A_353, %select_n3A_332 : vector<256x2048xi1>, vector<256x2048xf32>
    %reduce_max3A_355 = arith.constant dense<0xFF800000> : vector<256xf32>
    %reduce_max3A_356 = vector.multi_reduction <maximumf>, %select_n3A_354, %reduce_max3A_355 [1] : vector<256x2048xf32> to vector<256xf32>
    %broadcast_in_dim3A_357 = vector.shape_cast %reduce_max3A_356 : vector<256xf32> to vector<256x1xf32>
    %eq3A_358 = vector.broadcast %broadcast_in_dim3A_357 : vector<256x1xf32> to vector<256x2048xf32>
    %eq3A_359 = arith.cmpf oeq, %select_n3A_354, %eq3A_358 : vector<256x2048xf32>
    %jit3A_360 = arith.constant 2048 : i32
    %broadcast_in_dim3A_361 = vector.broadcast %jit3A_360 : i32 to vector<256x2048xi32>
    %select_n3A_362 = arith.select %eq3A_359, %iota3A, %broadcast_in_dim3A_361 : vector<256x2048xi1>, vector<256x2048xi32>
    %reduce_min3A_363 = arith.constant dense<2147483647> : vector<256xi32>
    %reduce_min3A_364 = vector.multi_reduction <minsi>, %select_n3A_362, %reduce_min3A_363 [1] : vector<256x2048xi32> to vector<256xi32>
    %broadcast_in_dim3A_365 = vector.shape_cast %reduce_min3A_364 : vector<256xi32> to vector<256x1xi32>
    %swap3A_366 = arith.constant 0 : index
    %swap3A_367 = arith.constant 0 : index
    %swap3A_368 = arith.constant 15 : index
    %swap3A_369 = vector.load %arg4[%swap3A_366, %swap3A_367, %swap3A_368] : memref<1x256x32xi32, #tpu.memory_space<vmem>>, vector<1x256x1xi32>
    %swap3A_370 = vector.shape_cast %swap3A_369 : vector<1x256x1xi32> to vector<256x1xi32>
    %swap3A_371 = vector.shape_cast %broadcast_in_dim3A_365 : vector<256x1xi32> to vector<1x256x1xi32>
    tpu.vector_store %arg4[%swap3A_366, %swap3A_367, %swap3A_368], %swap3A_371 {strides = array<i32>} : memref<1x256x32xi32, #tpu.memory_space<vmem>>, vector<1x256x1xi32>,
    %eq3A_372 = vector.broadcast %broadcast_in_dim3A_365 : vector<256x1xi32> to vector<256x2048xi32>
    %eq3A_373 = arith.cmpi eq, %iota3A, %eq3A_372 : vector<256x2048xi32>
    %jit3A_374 = arith.constant 0xFF800000 : f32
    %broadcast_in_dim3A_375 = vector.broadcast %jit3A_374 : f32 to vector<256x2048xf32>
    %select_n3A_376 = arith.select %eq3A_373, %broadcast_in_dim3A_375, %select_n3A_354 : vector<256x2048xi1>, vector<256x2048xf32>
    %reduce_max3A_377 = arith.constant dense<0xFF800000> : vector<256xf32>
    %reduce_max3A_378 = vector.multi_reduction <maximumf>, %select_n3A_376, %reduce_max3A_377 [1] : vector<256x2048xf32> to vector<256xf32>
    %broadcast_in_dim3A_379 = vector.shape_cast %reduce_max3A_378 : vector<256xf32> to vector<256x1xf32>
    %eq3A_380 = vector.broadcast %broadcast_in_dim3A_379 : vector<256x1xf32> to vector<256x2048xf32>
    %eq3A_381 = arith.cmpf oeq, %select_n3A_376, %eq3A_380 : vector<256x2048xf32>
    %jit3A_382 = arith.constant 2048 : i32
    %broadcast_in_dim3A_383 = vector.broadcast %jit3A_382 : i32 to vector<256x2048xi32>
    %select_n3A_384 = arith.select %eq3A_381, %iota3A, %broadcast_in_dim3A_383 : vector<256x2048xi1>, vector<256x2048xi32>
    %reduce_min3A_385 = arith.constant dense<2147483647> : vector<256xi32>
    %reduce_min3A_386 = vector.multi_reduction <minsi>, %select_n3A_384, %reduce_min3A_385 [1] : vector<256x2048xi32> to vector<256xi32>
    %broadcast_in_dim3A_387 = vector.shape_cast %reduce_min3A_386 : vector<256xi32> to vector<256x1xi32>
    %swap3A_388 = arith.constant 0 : index
    %swap3A_389 = arith.constant 0 : index
    %swap3A_390 = arith.constant 16 : index
    %swap3A_391 = vector.load %arg4[%swap3A_388, %swap3A_389, %swap3A_390] : memref<1x256x32xi32, #tpu.memory_space<vmem>>, vector<1x256x1xi32>
    %swap3A_392 = vector.shape_cast %swap3A_391 : vector<1x256x1xi32> to vector<256x1xi32>
    %swap3A_393 = vector.shape_cast %broadcast_in_dim3A_387 : vector<256x1xi32> to vector<1x256x1xi32>
    tpu.vector_store %arg4[%swap3A_388, %swap3A_389, %swap3A_390], %swap3A_393 {strides = array<i32>} : memref<1x256x32xi32, #tpu.memory_space<vmem>>, vector<1x256x1xi32>,
    %eq3A_394 = vector.broadcast %broadcast_in_dim3A_387 : vector<256x1xi32> to vector<256x2048xi32>
    %eq3A_395 = arith.cmpi eq, %iota3A, %eq3A_394 : vector<256x2048xi32>
    %jit3A_396 = arith.constant 0xFF800000 : f32
    %broadcast_in_dim3A_397 = vector.broadcast %jit3A_396 : f32 to vector<256x2048xf32>
    %select_n3A_398 = arith.select %eq3A_395, %broadcast_in_dim3A_397, %select_n3A_376 : vector<256x2048xi1>, vector<256x2048xf32>
    %reduce_max3A_399 = arith.constant dense<0xFF800000> : vector<256xf32>
    %reduce_max3A_400 = vector.multi_reduction <maximumf>, %select_n3A_398, %reduce_max3A_399 [1] : vector<256x2048xf32> to vector<256xf32>
    %broadcast_in_dim3A_401 = vector.shape_cast %reduce_max3A_400 : vector<256xf32> to vector<256x1xf32>
    %eq3A_402 = vector.broadcast %broadcast_in_dim3A_401 : vector<256x1xf32> to vector<256x2048xf32>
    %eq3A_403 = arith.cmpf oeq, %select_n3A_398, %eq3A_402 : vector<256x2048xf32>
    %jit3A_404 = arith.constant 2048 : i32
    %broadcast_in_dim3A_405 = vector.broadcast %jit3A_404 : i32 to vector<256x2048xi32>
    %select_n3A_406 = arith.select %eq3A_403, %iota3A, %broadcast_in_dim3A_405 : vector<256x2048xi1>, vector<256x2048xi32>
    %reduce_min3A_407 = arith.constant dense<2147483647> : vector<256xi32>
    %reduce_min3A_408 = vector.multi_reduction <minsi>, %select_n3A_406, %reduce_min3A_407 [1] : vector<256x2048xi32> to vector<256xi32>
    %broadcast_in_dim3A_409 = vector.shape_cast %reduce_min3A_408 : vector<256xi32> to vector<256x1xi32>
    %swap3A_410 = arith.constant 0 : index
    %swap3A_411 = arith.constant 0 : index
    %swap3A_412 = arith.constant 17 : index
    %swap3A_413 = vector.load %arg4[%swap3A_410, %swap3A_411, %swap3A_412] : memref<1x256x32xi32, #tpu.memory_space<vmem>>, vector<1x256x1xi32>
    %swap3A_414 = vector.shape_cast %swap3A_413 : vector<1x256x1xi32> to vector<256x1xi32>
    %swap3A_415 = vector.shape_cast %broadcast_in_dim3A_409 : vector<256x1xi32> to vector<1x256x1xi32>
    tpu.vector_store %arg4[%swap3A_410, %swap3A_411, %swap3A_412], %swap3A_415 {strides = array<i32>} : memref<1x256x32xi32, #tpu.memory_space<vmem>>, vector<1x256x1xi32>,
    %eq3A_416 = vector.broadcast %broadcast_in_dim3A_409 : vector<256x1xi32> to vector<256x2048xi32>
    %eq3A_417 = arith.cmpi eq, %iota3A, %eq3A_416 : vector<256x2048xi32>
    %jit3A_418 = arith.constant 0xFF800000 : f32
    %broadcast_in_dim3A_419 = vector.broadcast %jit3A_418 : f32 to vector<256x2048xf32>
    %select_n3A_420 = arith.select %eq3A_417, %broadcast_in_dim3A_419, %select_n3A_398 : vector<256x2048xi1>, vector<256x2048xf32>
    %reduce_max3A_421 = arith.constant dense<0xFF800000> : vector<256xf32>
    %reduce_max3A_422 = vector.multi_reduction <maximumf>, %select_n3A_420, %reduce_max3A_421 [1] : vector<256x2048xf32> to vector<256xf32>
    %broadcast_in_dim3A_423 = vector.shape_cast %reduce_max3A_422 : vector<256xf32> to vector<256x1xf32>
    %eq3A_424 = vector.broadcast %broadcast_in_dim3A_423 : vector<256x1xf32> to vector<256x2048xf32>
    %eq3A_425 = arith.cmpf oeq, %select_n3A_420, %eq3A_424 : vector<256x2048xf32>
    %jit3A_426 = arith.constant 2048 : i32
    %broadcast_in_dim3A_427 = vector.broadcast %jit3A_426 : i32 to vector<256x2048xi32>
    %select_n3A_428 = arith.select %eq3A_425, %iota3A, %broadcast_in_dim3A_427 : vector<256x2048xi1>, vector<256x2048xi32>
    %reduce_min3A_429 = arith.constant dense<2147483647> : vector<256xi32>
    %reduce_min3A_430 = vector.multi_reduction <minsi>, %select_n3A_428, %reduce_min3A_429 [1] : vector<256x2048xi32> to vector<256xi32>
    %broadcast_in_dim3A_431 = vector.shape_cast %reduce_min3A_430 : vector<256xi32> to vector<256x1xi32>
    %swap3A_432 = arith.constant 0 : index
    %swap3A_433 = arith.constant 0 : index
    %swap3A_434 = arith.constant 18 : index
    %swap3A_435 = vector.load %arg4[%swap3A_432, %swap3A_433, %swap3A_434] : memref<1x256x32xi32, #tpu.memory_space<vmem>>, vector<1x256x1xi32>
    %swap3A_436 = vector.shape_cast %swap3A_435 : vector<1x256x1xi32> to vector<256x1xi32>
    %swap3A_437 = vector.shape_cast %broadcast_in_dim3A_431 : vector<256x1xi32> to vector<1x256x1xi32>
    tpu.vector_store %arg4[%swap3A_432, %swap3A_433, %swap3A_434], %swap3A_437 {strides = array<i32>} : memref<1x256x32xi32, #tpu.memory_space<vmem>>, vector<1x256x1xi32>,
    %eq3A_438 = vector.broadcast %broadcast_in_dim3A_431 : vector<256x1xi32> to vector<256x2048xi32>
    %eq3A_439 = arith.cmpi eq, %iota3A, %eq3A_438 : vector<256x2048xi32>
    %jit3A_440 = arith.constant 0xFF800000 : f32
    %broadcast_in_dim3A_441 = vector.broadcast %jit3A_440 : f32 to vector<256x2048xf32>
    %select_n3A_442 = arith.select %eq3A_439, %broadcast_in_dim3A_441, %select_n3A_420 : vector<256x2048xi1>, vector<256x2048xf32>
    %reduce_max3A_443 = arith.constant dense<0xFF800000> : vector<256xf32>
    %reduce_max3A_444 = vector.multi_reduction <maximumf>, %select_n3A_442, %reduce_max3A_443 [1] : vector<256x2048xf32> to vector<256xf32>
    %broadcast_in_dim3A_445 = vector.shape_cast %reduce_max3A_444 : vector<256xf32> to vector<256x1xf32>
    %eq3A_446 = vector.broadcast %broadcast_in_dim3A_445 : vector<256x1xf32> to vector<256x2048xf32>
    %eq3A_447 = arith.cmpf oeq, %select_n3A_442, %eq3A_446 : vector<256x2048xf32>
    %jit3A_448 = arith.constant 2048 : i32
    %broadcast_in_dim3A_449 = vector.broadcast %jit3A_448 : i32 to vector<256x2048xi32>
    %select_n3A_450 = arith.select %eq3A_447, %iota3A, %broadcast_in_dim3A_449 : vector<256x2048xi1>, vector<256x2048xi32>
    %reduce_min3A_451 = arith.constant dense<2147483647> : vector<256xi32>
    %reduce_min3A_452 = vector.multi_reduction <minsi>, %select_n3A_450, %reduce_min3A_451 [1] : vector<256x2048xi32> to vector<256xi32>
    %broadcast_in_dim3A_453 = vector.shape_cast %reduce_min3A_452 : vector<256xi32> to vector<256x1xi32>
    %swap3A_454 = arith.constant 0 : index
    %swap3A_455 = arith.constant 0 : index
    %swap3A_456 = arith.constant 19 : index
    %swap3A_457 = vector.load %arg4[%swap3A_454, %swap3A_455, %swap3A_456] : memref<1x256x32xi32, #tpu.memory_space<vmem>>, vector<1x256x1xi32>
    %swap3A_458 = vector.shape_cast %swap3A_457 : vector<1x256x1xi32> to vector<256x1xi32>
    %swap3A_459 = vector.shape_cast %broadcast_in_dim3A_453 : vector<256x1xi32> to vector<1x256x1xi32>
    tpu.vector_store %arg4[%swap3A_454, %swap3A_455, %swap3A_456], %swap3A_459 {strides = array<i32>} : memref<1x256x32xi32, #tpu.memory_space<vmem>>, vector<1x256x1xi32>,
    return
  }
  func.func @transform_0(%arg0: i32, %arg1: i32) -> (i32, i32, i32) {
    %c0_i32 = arith.constant 0 : i32
    %c0_i32_0 = arith.constant 0 : i32
    %c0_i32_1 = arith.constant 0 : i32
    return %arg0, %c0_i32, %c0_i32_0 : i32, i32, i32
  }
  func.func @transform_1(%arg0: i32, %arg1: i32) -> (i32, i32, i32) {
    %c0_i32 = arith.constant 0 : i32
    %c0_i32_0 = arith.constant 0 : i32
    %c0_i32_1 = arith.constant 0 : i32
    return %arg0, %c0_i32, %c0_i32_0 : i32, i32, i32
  }
  func.func @transform_2(%arg0: i32, %arg1: i32) -> (i32, i32, i32) {
    %c0_i32 = arith.constant 0 : i32
    %c0_i32_0 = arith.constant 0 : i32
    return %arg0, %arg1, %c0_i32 : i32, i32, i32
  }
}

module attributes {stable_mosaic.version = 14 : i64} {
  func.func @_knn_kernel(%arg0: i32, %arg1: i32, %arg2: memref<1x64x2048xf32, #tpu.memory_space<vmem>>, %arg3: memref<1x1x2048xf32, #tpu.memory_space<vmem>>, %arg4: memref<1x256x32xi32, #tpu.memory_space<vmem>>) attributes {dimension_semantics = [#tpu.dimension_semantics<arbitrary>, #tpu.dimension_semantics<arbitrary>], iteration_bounds = array<i64: 8, 8>, scalar_prefetch = 0 : i64, scratch_operands = 0 : i64, tpu.core_type = #tpu.core_type<tc>, window_params = [{transform_indices = @transform_0, window_bounds = array<i64: 1, 64, 2048>}, {transform_indices = @transform_1, window_bounds = array<i64: 1, 1, 2048>}, {transform_indices = @transform_2, window_bounds = array<i64: 1, 256, 32>}]} {
    %get3A = arith.constant 0 : index
    %get3A_0 = arith.constant 0 : index
    %get3A_1 = arith.constant 0 : index
    %get3A_2 = vector.load %arg2[%get3A, %get3A_0, %get3A_1] : memref<1x64x2048xf32, #tpu.memory_space<vmem>>, vector<1x64x2048xf32>
    %get3A_3 = vector.shape_cast %get3A_2 : vector<1x64x2048xf32> to vector<64x2048xf32>
    %convert_element_type3A = arith.truncf %get3A_3 : vector<64x2048xf32> to vector<64x2048xbf16>
    %mul3A = arith.constant 256 : i32
    %mul3A_4 = arith.muli %arg1, %mul3A : i32
    %get3A_5 = arith.constant 0 : index
    %get3A_6 = arith.constant 0 : index
    %get3A_7 = arith.index_cast %mul3A_4 : i32 to index
    %get3A_8 = vector.load %arg2[%get3A_5, %get3A_6, %get3A_7] : memref<1x64x2048xf32, #tpu.memory_space<vmem>>, vector<1x64x256xf32>
    %get3A_9 = vector.shape_cast %get3A_8 : vector<1x64x256xf32> to vector<64x256xf32>
    %convert_element_type3A_10 = arith.truncf %get3A_9 : vector<64x256xf32> to vector<64x256xbf16>
    %dot_general3A = arith.constant dense<0.000000e+00> : vector<256x2048xf32>
    %dot_general3A_11 = tpu.matmul %convert_element_type3A_10, %convert_element_type3A, %dot_general3A {dimension_numbers = #tpu.dot_dimension_numbers<[0], [0], [1], [1], [0, 1, 1, 1], [], []>, transpose_lhs_hint = false} : vector<64x256xbf16>, vector<64x2048xbf16>, vector<256x2048xf32> -> vector<256x2048xf32>
    %mul3A_12 = arith.constant -2.000000e+00 : f32
    %mul3A_13 = vector.broadcast %mul3A_12 : f32 to vector<256x2048xf32>
    %mul3A_14 = arith.mulf %mul3A_13, %dot_general3A_11 : vector<256x2048xf32>
    %mul3A_15 = arith.constant 256 : i32
    %mul3A_16 = arith.muli %arg1, %mul3A_15 : i32
    %get3A_17 = arith.constant 0 : index
    %get3A_18 = arith.constant 0 : index
    %get3A_19 = arith.index_cast %mul3A_16 : i32 to index
    %get3A_20 = vector.load %arg3[%get3A_17, %get3A_18, %get3A_19] : memref<1x1x2048xf32, #tpu.memory_space<vmem>>, vector<1x1x256xf32>
    %get3A_21 = vector.shape_cast %get3A_20 : vector<1x1x256xf32> to vector<256xf32>
    %reshape3A = vector.shape_cast %get3A_21 : vector<256xf32> to vector<256x1xf32>
    %get3A_22 = arith.constant 0 : index
    %get3A_23 = arith.constant 0 : index
    %get3A_24 = arith.constant 0 : index
    %get3A_25 = vector.load %arg3[%get3A_22, %get3A_23, %get3A_24] : memref<1x1x2048xf32, #tpu.memory_space<vmem>>, vector<1x1x2048xf32>
    %get3A_26 = vector.shape_cast %get3A_25 : vector<1x1x2048xf32> to vector<1x2048xf32>
    %neg3A = arith.constant 0.000000e+00 : f32
    %neg3A_27 = vector.broadcast %neg3A : f32 to vector<1x2048xf32>
    %neg3A_28 = arith.subf %neg3A_27, %get3A_26 : vector<1x2048xf32>
    %sub3A = vector.broadcast %neg3A_28 : vector<1x2048xf32> to vector<256x2048xf32>
    %sub3A_29 = arith.subf %sub3A, %mul3A_14 : vector<256x2048xf32>
    %sub3A_30 = vector.broadcast %reshape3A : vector<256x1xf32> to vector<256x2048xf32>
    %sub3A_31 = arith.subf %sub3A_29, %sub3A_30 : vector<256x2048xf32>
    %iota3A = tpu.iota {dimensions = array<i32: 1>} : vector<256x2048xi32>
    %reduce_max3A = arith.constant dense<0xFF800000> : vector<256xf32>
    %reduce_max3A_32 = vector.multi_reduction <maximumf>, %sub3A_31, %reduce_max3A [1] : vector<256x2048xf32> to vector<256xf32>
    %broadcast_in_dim3A = vector.shape_cast %reduce_max3A_32 : vector<256xf32> to vector<256x1xf32>
    %eq3A = vector.broadcast %broadcast_in_dim3A : vector<256x1xf32> to vector<256x2048xf32>
    %eq3A_33 = arith.cmpf oeq, %sub3A_31, %eq3A : vector<256x2048xf32>
    %jit3A = arith.constant 2048 : i32
    %broadcast_in_dim3A_34 = vector.broadcast %jit3A : i32 to vector<256x2048xi32>
    %select_n3A = arith.select %eq3A_33, %iota3A, %broadcast_in_dim3A_34 : vector<256x2048xi1>, vector<256x2048xi32>
    %reduce_min3A = arith.constant dense<2147483647> : vector<256xi32>
    %reduce_min3A_35 = vector.multi_reduction <minsi>, %select_n3A, %reduce_min3A [1] : vector<256x2048xi32> to vector<256xi32>
    %broadcast_in_dim3A_36 = vector.shape_cast %reduce_min3A_35 : vector<256xi32> to vector<256x1xi32>
    %swap3A = arith.constant 0 : index
    %swap3A_37 = arith.constant 0 : index
    %swap3A_38 = arith.constant 0 : index
    %swap3A_39 = vector.load %arg4[%swap3A, %swap3A_37, %swap3A_38] : memref<1x256x32xi32, #tpu.memory_space<vmem>>, vector<1x256x1xi32>
    %swap3A_40 = vector.shape_cast %swap3A_39 : vector<1x256x1xi32> to vector<256x1xi32>
    %swap3A_41 = vector.shape_cast %broadcast_in_dim3A_36 : vector<256x1xi32> to vector<1x256x1xi32>
    tpu.vector_store %arg4[%swap3A, %swap3A_37, %swap3A_38], %swap3A_41 {strides = array<i32>} : memref<1x256x32xi32, #tpu.memory_space<vmem>>, vector<1x256x1xi32>,
    %eq3A_42 = vector.broadcast %broadcast_in_dim3A_36 : vector<256x1xi32> to vector<256x2048xi32>
    %eq3A_43 = arith.cmpi eq, %iota3A, %eq3A_42 : vector<256x2048xi32>
    %jit3A_44 = arith.constant 0xFF800000 : f32
    %broadcast_in_dim3A_45 = vector.broadcast %jit3A_44 : f32 to vector<256x2048xf32>
    %select_n3A_46 = arith.select %eq3A_43, %broadcast_in_dim3A_45, %sub3A_31 : vector<256x2048xi1>, vector<256x2048xf32>
    %reduce_max3A_47 = arith.constant dense<0xFF800000> : vector<256xf32>
    %reduce_max3A_48 = vector.multi_reduction <maximumf>, %select_n3A_46, %reduce_max3A_47 [1] : vector<256x2048xf32> to vector<256xf32>
    %broadcast_in_dim3A_49 = vector.shape_cast %reduce_max3A_48 : vector<256xf32> to vector<256x1xf32>
    %eq3A_50 = vector.broadcast %broadcast_in_dim3A_49 : vector<256x1xf32> to vector<256x2048xf32>
    %eq3A_51 = arith.cmpf oeq, %select_n3A_46, %eq3A_50 : vector<256x2048xf32>
    %jit3A_52 = arith.constant 2048 : i32
    %broadcast_in_dim3A_53 = vector.broadcast %jit3A_52 : i32 to vector<256x2048xi32>
    %select_n3A_54 = arith.select %eq3A_51, %iota3A, %broadcast_in_dim3A_53 : vector<256x2048xi1>, vector<256x2048xi32>
    %reduce_min3A_55 = arith.constant dense<2147483647> : vector<256xi32>
    %reduce_min3A_56 = vector.multi_reduction <minsi>, %select_n3A_54, %reduce_min3A_55 [1] : vector<256x2048xi32> to vector<256xi32>
    %broadcast_in_dim3A_57 = vector.shape_cast %reduce_min3A_56 : vector<256xi32> to vector<256x1xi32>
    %swap3A_58 = arith.constant 0 : index
    %swap3A_59 = arith.constant 0 : index
    %swap3A_60 = arith.constant 1 : index
    %swap3A_61 = vector.load %arg4[%swap3A_58, %swap3A_59, %swap3A_60] : memref<1x256x32xi32, #tpu.memory_space<vmem>>, vector<1x256x1xi32>
    %swap3A_62 = vector.shape_cast %swap3A_61 : vector<1x256x1xi32> to vector<256x1xi32>
    %swap3A_63 = vector.shape_cast %broadcast_in_dim3A_57 : vector<256x1xi32> to vector<1x256x1xi32>
    tpu.vector_store %arg4[%swap3A_58, %swap3A_59, %swap3A_60], %swap3A_63 {strides = array<i32>} : memref<1x256x32xi32, #tpu.memory_space<vmem>>, vector<1x256x1xi32>,
    %eq3A_64 = vector.broadcast %broadcast_in_dim3A_57 : vector<256x1xi32> to vector<256x2048xi32>
    %eq3A_65 = arith.cmpi eq, %iota3A, %eq3A_64 : vector<256x2048xi32>
    %jit3A_66 = arith.constant 0xFF800000 : f32
    %broadcast_in_dim3A_67 = vector.broadcast %jit3A_66 : f32 to vector<256x2048xf32>
    %select_n3A_68 = arith.select %eq3A_65, %broadcast_in_dim3A_67, %select_n3A_46 : vector<256x2048xi1>, vector<256x2048xf32>
    %reduce_max3A_69 = arith.constant dense<0xFF800000> : vector<256xf32>
    %reduce_max3A_70 = vector.multi_reduction <maximumf>, %select_n3A_68, %reduce_max3A_69 [1] : vector<256x2048xf32> to vector<256xf32>
    %broadcast_in_dim3A_71 = vector.shape_cast %reduce_max3A_70 : vector<256xf32> to vector<256x1xf32>
    %eq3A_72 = vector.broadcast %broadcast_in_dim3A_71 : vector<256x1xf32> to vector<256x2048xf32>
    %eq3A_73 = arith.cmpf oeq, %select_n3A_68, %eq3A_72 : vector<256x2048xf32>
    %jit3A_74 = arith.constant 2048 : i32
    %broadcast_in_dim3A_75 = vector.broadcast %jit3A_74 : i32 to vector<256x2048xi32>
    %select_n3A_76 = arith.select %eq3A_73, %iota3A, %broadcast_in_dim3A_75 : vector<256x2048xi1>, vector<256x2048xi32>
    %reduce_min3A_77 = arith.constant dense<2147483647> : vector<256xi32>
    %reduce_min3A_78 = vector.multi_reduction <minsi>, %select_n3A_76, %reduce_min3A_77 [1] : vector<256x2048xi32> to vector<256xi32>
    %broadcast_in_dim3A_79 = vector.shape_cast %reduce_min3A_78 : vector<256xi32> to vector<256x1xi32>
    %swap3A_80 = arith.constant 0 : index
    %swap3A_81 = arith.constant 0 : index
    %swap3A_82 = arith.constant 2 : index
    %swap3A_83 = vector.load %arg4[%swap3A_80, %swap3A_81, %swap3A_82] : memref<1x256x32xi32, #tpu.memory_space<vmem>>, vector<1x256x1xi32>
    %swap3A_84 = vector.shape_cast %swap3A_83 : vector<1x256x1xi32> to vector<256x1xi32>
    %swap3A_85 = vector.shape_cast %broadcast_in_dim3A_79 : vector<256x1xi32> to vector<1x256x1xi32>
    tpu.vector_store %arg4[%swap3A_80, %swap3A_81, %swap3A_82], %swap3A_85 {strides = array<i32>} : memref<1x256x32xi32, #tpu.memory_space<vmem>>, vector<1x256x1xi32>,
    %eq3A_86 = vector.broadcast %broadcast_in_dim3A_79 : vector<256x1xi32> to vector<256x2048xi32>
    %eq3A_87 = arith.cmpi eq, %iota3A, %eq3A_86 : vector<256x2048xi32>
    %jit3A_88 = arith.constant 0xFF800000 : f32
    %broadcast_in_dim3A_89 = vector.broadcast %jit3A_88 : f32 to vector<256x2048xf32>
    %select_n3A_90 = arith.select %eq3A_87, %broadcast_in_dim3A_89, %select_n3A_68 : vector<256x2048xi1>, vector<256x2048xf32>
    %reduce_max3A_91 = arith.constant dense<0xFF800000> : vector<256xf32>
    %reduce_max3A_92 = vector.multi_reduction <maximumf>, %select_n3A_90, %reduce_max3A_91 [1] : vector<256x2048xf32> to vector<256xf32>
    %broadcast_in_dim3A_93 = vector.shape_cast %reduce_max3A_92 : vector<256xf32> to vector<256x1xf32>
    %eq3A_94 = vector.broadcast %broadcast_in_dim3A_93 : vector<256x1xf32> to vector<256x2048xf32>
    %eq3A_95 = arith.cmpf oeq, %select_n3A_90, %eq3A_94 : vector<256x2048xf32>
    %jit3A_96 = arith.constant 2048 : i32
    %broadcast_in_dim3A_97 = vector.broadcast %jit3A_96 : i32 to vector<256x2048xi32>
    %select_n3A_98 = arith.select %eq3A_95, %iota3A, %broadcast_in_dim3A_97 : vector<256x2048xi1>, vector<256x2048xi32>
    %reduce_min3A_99 = arith.constant dense<2147483647> : vector<256xi32>
    %reduce_min3A_100 = vector.multi_reduction <minsi>, %select_n3A_98, %reduce_min3A_99 [1] : vector<256x2048xi32> to vector<256xi32>
    %broadcast_in_dim3A_101 = vector.shape_cast %reduce_min3A_100 : vector<256xi32> to vector<256x1xi32>
    %swap3A_102 = arith.constant 0 : index
    %swap3A_103 = arith.constant 0 : index
    %swap3A_104 = arith.constant 3 : index
    %swap3A_105 = vector.load %arg4[%swap3A_102, %swap3A_103, %swap3A_104] : memref<1x256x32xi32, #tpu.memory_space<vmem>>, vector<1x256x1xi32>
    %swap3A_106 = vector.shape_cast %swap3A_105 : vector<1x256x1xi32> to vector<256x1xi32>
    %swap3A_107 = vector.shape_cast %broadcast_in_dim3A_101 : vector<256x1xi32> to vector<1x256x1xi32>
    tpu.vector_store %arg4[%swap3A_102, %swap3A_103, %swap3A_104], %swap3A_107 {strides = array<i32>} : memref<1x256x32xi32, #tpu.memory_space<vmem>>, vector<1x256x1xi32>,
    %eq3A_108 = vector.broadcast %broadcast_in_dim3A_101 : vector<256x1xi32> to vector<256x2048xi32>
    %eq3A_109 = arith.cmpi eq, %iota3A, %eq3A_108 : vector<256x2048xi32>
    %jit3A_110 = arith.constant 0xFF800000 : f32
    %broadcast_in_dim3A_111 = vector.broadcast %jit3A_110 : f32 to vector<256x2048xf32>
    %select_n3A_112 = arith.select %eq3A_109, %broadcast_in_dim3A_111, %select_n3A_90 : vector<256x2048xi1>, vector<256x2048xf32>
    %reduce_max3A_113 = arith.constant dense<0xFF800000> : vector<256xf32>
    %reduce_max3A_114 = vector.multi_reduction <maximumf>, %select_n3A_112, %reduce_max3A_113 [1] : vector<256x2048xf32> to vector<256xf32>
    %broadcast_in_dim3A_115 = vector.shape_cast %reduce_max3A_114 : vector<256xf32> to vector<256x1xf32>
    %eq3A_116 = vector.broadcast %broadcast_in_dim3A_115 : vector<256x1xf32> to vector<256x2048xf32>
    %eq3A_117 = arith.cmpf oeq, %select_n3A_112, %eq3A_116 : vector<256x2048xf32>
    %jit3A_118 = arith.constant 2048 : i32
    %broadcast_in_dim3A_119 = vector.broadcast %jit3A_118 : i32 to vector<256x2048xi32>
    %select_n3A_120 = arith.select %eq3A_117, %iota3A, %broadcast_in_dim3A_119 : vector<256x2048xi1>, vector<256x2048xi32>
    %reduce_min3A_121 = arith.constant dense<2147483647> : vector<256xi32>
    %reduce_min3A_122 = vector.multi_reduction <minsi>, %select_n3A_120, %reduce_min3A_121 [1] : vector<256x2048xi32> to vector<256xi32>
    %broadcast_in_dim3A_123 = vector.shape_cast %reduce_min3A_122 : vector<256xi32> to vector<256x1xi32>
    %swap3A_124 = arith.constant 0 : index
    %swap3A_125 = arith.constant 0 : index
    %swap3A_126 = arith.constant 4 : index
    %swap3A_127 = vector.load %arg4[%swap3A_124, %swap3A_125, %swap3A_126] : memref<1x256x32xi32, #tpu.memory_space<vmem>>, vector<1x256x1xi32>
    %swap3A_128 = vector.shape_cast %swap3A_127 : vector<1x256x1xi32> to vector<256x1xi32>
    %swap3A_129 = vector.shape_cast %broadcast_in_dim3A_123 : vector<256x1xi32> to vector<1x256x1xi32>
    tpu.vector_store %arg4[%swap3A_124, %swap3A_125, %swap3A_126], %swap3A_129 {strides = array<i32>} : memref<1x256x32xi32, #tpu.memory_space<vmem>>, vector<1x256x1xi32>,
    %eq3A_130 = vector.broadcast %broadcast_in_dim3A_123 : vector<256x1xi32> to vector<256x2048xi32>
    %eq3A_131 = arith.cmpi eq, %iota3A, %eq3A_130 : vector<256x2048xi32>
    %jit3A_132 = arith.constant 0xFF800000 : f32
    %broadcast_in_dim3A_133 = vector.broadcast %jit3A_132 : f32 to vector<256x2048xf32>
    %select_n3A_134 = arith.select %eq3A_131, %broadcast_in_dim3A_133, %select_n3A_112 : vector<256x2048xi1>, vector<256x2048xf32>
    %reduce_max3A_135 = arith.constant dense<0xFF800000> : vector<256xf32>
    %reduce_max3A_136 = vector.multi_reduction <maximumf>, %select_n3A_134, %reduce_max3A_135 [1] : vector<256x2048xf32> to vector<256xf32>
    %broadcast_in_dim3A_137 = vector.shape_cast %reduce_max3A_136 : vector<256xf32> to vector<256x1xf32>
    %eq3A_138 = vector.broadcast %broadcast_in_dim3A_137 : vector<256x1xf32> to vector<256x2048xf32>
    %eq3A_139 = arith.cmpf oeq, %select_n3A_134, %eq3A_138 : vector<256x2048xf32>
    %jit3A_140 = arith.constant 2048 : i32
    %broadcast_in_dim3A_141 = vector.broadcast %jit3A_140 : i32 to vector<256x2048xi32>
    %select_n3A_142 = arith.select %eq3A_139, %iota3A, %broadcast_in_dim3A_141 : vector<256x2048xi1>, vector<256x2048xi32>
    %reduce_min3A_143 = arith.constant dense<2147483647> : vector<256xi32>
    %reduce_min3A_144 = vector.multi_reduction <minsi>, %select_n3A_142, %reduce_min3A_143 [1] : vector<256x2048xi32> to vector<256xi32>
    %broadcast_in_dim3A_145 = vector.shape_cast %reduce_min3A_144 : vector<256xi32> to vector<256x1xi32>
    %swap3A_146 = arith.constant 0 : index
    %swap3A_147 = arith.constant 0 : index
    %swap3A_148 = arith.constant 5 : index
    %swap3A_149 = vector.load %arg4[%swap3A_146, %swap3A_147, %swap3A_148] : memref<1x256x32xi32, #tpu.memory_space<vmem>>, vector<1x256x1xi32>
    %swap3A_150 = vector.shape_cast %swap3A_149 : vector<1x256x1xi32> to vector<256x1xi32>
    %swap3A_151 = vector.shape_cast %broadcast_in_dim3A_145 : vector<256x1xi32> to vector<1x256x1xi32>
    tpu.vector_store %arg4[%swap3A_146, %swap3A_147, %swap3A_148], %swap3A_151 {strides = array<i32>} : memref<1x256x32xi32, #tpu.memory_space<vmem>>, vector<1x256x1xi32>,
    %eq3A_152 = vector.broadcast %broadcast_in_dim3A_145 : vector<256x1xi32> to vector<256x2048xi32>
    %eq3A_153 = arith.cmpi eq, %iota3A, %eq3A_152 : vector<256x2048xi32>
    %jit3A_154 = arith.constant 0xFF800000 : f32
    %broadcast_in_dim3A_155 = vector.broadcast %jit3A_154 : f32 to vector<256x2048xf32>
    %select_n3A_156 = arith.select %eq3A_153, %broadcast_in_dim3A_155, %select_n3A_134 : vector<256x2048xi1>, vector<256x2048xf32>
    %reduce_max3A_157 = arith.constant dense<0xFF800000> : vector<256xf32>
    %reduce_max3A_158 = vector.multi_reduction <maximumf>, %select_n3A_156, %reduce_max3A_157 [1] : vector<256x2048xf32> to vector<256xf32>
    %broadcast_in_dim3A_159 = vector.shape_cast %reduce_max3A_158 : vector<256xf32> to vector<256x1xf32>
    %eq3A_160 = vector.broadcast %broadcast_in_dim3A_159 : vector<256x1xf32> to vector<256x2048xf32>
    %eq3A_161 = arith.cmpf oeq, %select_n3A_156, %eq3A_160 : vector<256x2048xf32>
    %jit3A_162 = arith.constant 2048 : i32
    %broadcast_in_dim3A_163 = vector.broadcast %jit3A_162 : i32 to vector<256x2048xi32>
    %select_n3A_164 = arith.select %eq3A_161, %iota3A, %broadcast_in_dim3A_163 : vector<256x2048xi1>, vector<256x2048xi32>
    %reduce_min3A_165 = arith.constant dense<2147483647> : vector<256xi32>
    %reduce_min3A_166 = vector.multi_reduction <minsi>, %select_n3A_164, %reduce_min3A_165 [1] : vector<256x2048xi32> to vector<256xi32>
    %broadcast_in_dim3A_167 = vector.shape_cast %reduce_min3A_166 : vector<256xi32> to vector<256x1xi32>
    %swap3A_168 = arith.constant 0 : index
    %swap3A_169 = arith.constant 0 : index
    %swap3A_170 = arith.constant 6 : index
    %swap3A_171 = vector.load %arg4[%swap3A_168, %swap3A_169, %swap3A_170] : memref<1x256x32xi32, #tpu.memory_space<vmem>>, vector<1x256x1xi32>
    %swap3A_172 = vector.shape_cast %swap3A_171 : vector<1x256x1xi32> to vector<256x1xi32>
    %swap3A_173 = vector.shape_cast %broadcast_in_dim3A_167 : vector<256x1xi32> to vector<1x256x1xi32>
    tpu.vector_store %arg4[%swap3A_168, %swap3A_169, %swap3A_170], %swap3A_173 {strides = array<i32>} : memref<1x256x32xi32, #tpu.memory_space<vmem>>, vector<1x256x1xi32>,
    %eq3A_174 = vector.broadcast %broadcast_in_dim3A_167 : vector<256x1xi32> to vector<256x2048xi32>
    %eq3A_175 = arith.cmpi eq, %iota3A, %eq3A_174 : vector<256x2048xi32>
    %jit3A_176 = arith.constant 0xFF800000 : f32
    %broadcast_in_dim3A_177 = vector.broadcast %jit3A_176 : f32 to vector<256x2048xf32>
    %select_n3A_178 = arith.select %eq3A_175, %broadcast_in_dim3A_177, %select_n3A_156 : vector<256x2048xi1>, vector<256x2048xf32>
    %reduce_max3A_179 = arith.constant dense<0xFF800000> : vector<256xf32>
    %reduce_max3A_180 = vector.multi_reduction <maximumf>, %select_n3A_178, %reduce_max3A_179 [1] : vector<256x2048xf32> to vector<256xf32>
    %broadcast_in_dim3A_181 = vector.shape_cast %reduce_max3A_180 : vector<256xf32> to vector<256x1xf32>
    %eq3A_182 = vector.broadcast %broadcast_in_dim3A_181 : vector<256x1xf32> to vector<256x2048xf32>
    %eq3A_183 = arith.cmpf oeq, %select_n3A_178, %eq3A_182 : vector<256x2048xf32>
    %jit3A_184 = arith.constant 2048 : i32
    %broadcast_in_dim3A_185 = vector.broadcast %jit3A_184 : i32 to vector<256x2048xi32>
    %select_n3A_186 = arith.select %eq3A_183, %iota3A, %broadcast_in_dim3A_185 : vector<256x2048xi1>, vector<256x2048xi32>
    %reduce_min3A_187 = arith.constant dense<2147483647> : vector<256xi32>
    %reduce_min3A_188 = vector.multi_reduction <minsi>, %select_n3A_186, %reduce_min3A_187 [1] : vector<256x2048xi32> to vector<256xi32>
    %broadcast_in_dim3A_189 = vector.shape_cast %reduce_min3A_188 : vector<256xi32> to vector<256x1xi32>
    %swap3A_190 = arith.constant 0 : index
    %swap3A_191 = arith.constant 0 : index
    %swap3A_192 = arith.constant 7 : index
    %swap3A_193 = vector.load %arg4[%swap3A_190, %swap3A_191, %swap3A_192] : memref<1x256x32xi32, #tpu.memory_space<vmem>>, vector<1x256x1xi32>
    %swap3A_194 = vector.shape_cast %swap3A_193 : vector<1x256x1xi32> to vector<256x1xi32>
    %swap3A_195 = vector.shape_cast %broadcast_in_dim3A_189 : vector<256x1xi32> to vector<1x256x1xi32>
    tpu.vector_store %arg4[%swap3A_190, %swap3A_191, %swap3A_192], %swap3A_195 {strides = array<i32>} : memref<1x256x32xi32, #tpu.memory_space<vmem>>, vector<1x256x1xi32>,
    %eq3A_196 = vector.broadcast %broadcast_in_dim3A_189 : vector<256x1xi32> to vector<256x2048xi32>
    %eq3A_197 = arith.cmpi eq, %iota3A, %eq3A_196 : vector<256x2048xi32>
    %jit3A_198 = arith.constant 0xFF800000 : f32
    %broadcast_in_dim3A_199 = vector.broadcast %jit3A_198 : f32 to vector<256x2048xf32>
    %select_n3A_200 = arith.select %eq3A_197, %broadcast_in_dim3A_199, %select_n3A_178 : vector<256x2048xi1>, vector<256x2048xf32>
    %reduce_max3A_201 = arith.constant dense<0xFF800000> : vector<256xf32>
    %reduce_max3A_202 = vector.multi_reduction <maximumf>, %select_n3A_200, %reduce_max3A_201 [1] : vector<256x2048xf32> to vector<256xf32>
    %broadcast_in_dim3A_203 = vector.shape_cast %reduce_max3A_202 : vector<256xf32> to vector<256x1xf32>
    %eq3A_204 = vector.broadcast %broadcast_in_dim3A_203 : vector<256x1xf32> to vector<256x2048xf32>
    %eq3A_205 = arith.cmpf oeq, %select_n3A_200, %eq3A_204 : vector<256x2048xf32>
    %jit3A_206 = arith.constant 2048 : i32
    %broadcast_in_dim3A_207 = vector.broadcast %jit3A_206 : i32 to vector<256x2048xi32>
    %select_n3A_208 = arith.select %eq3A_205, %iota3A, %broadcast_in_dim3A_207 : vector<256x2048xi1>, vector<256x2048xi32>
    %reduce_min3A_209 = arith.constant dense<2147483647> : vector<256xi32>
    %reduce_min3A_210 = vector.multi_reduction <minsi>, %select_n3A_208, %reduce_min3A_209 [1] : vector<256x2048xi32> to vector<256xi32>
    %broadcast_in_dim3A_211 = vector.shape_cast %reduce_min3A_210 : vector<256xi32> to vector<256x1xi32>
    %swap3A_212 = arith.constant 0 : index
    %swap3A_213 = arith.constant 0 : index
    %swap3A_214 = arith.constant 8 : index
    %swap3A_215 = vector.load %arg4[%swap3A_212, %swap3A_213, %swap3A_214] : memref<1x256x32xi32, #tpu.memory_space<vmem>>, vector<1x256x1xi32>
    %swap3A_216 = vector.shape_cast %swap3A_215 : vector<1x256x1xi32> to vector<256x1xi32>
    %swap3A_217 = vector.shape_cast %broadcast_in_dim3A_211 : vector<256x1xi32> to vector<1x256x1xi32>
    tpu.vector_store %arg4[%swap3A_212, %swap3A_213, %swap3A_214], %swap3A_217 {strides = array<i32>} : memref<1x256x32xi32, #tpu.memory_space<vmem>>, vector<1x256x1xi32>,
    %eq3A_218 = vector.broadcast %broadcast_in_dim3A_211 : vector<256x1xi32> to vector<256x2048xi32>
    %eq3A_219 = arith.cmpi eq, %iota3A, %eq3A_218 : vector<256x2048xi32>
    %jit3A_220 = arith.constant 0xFF800000 : f32
    %broadcast_in_dim3A_221 = vector.broadcast %jit3A_220 : f32 to vector<256x2048xf32>
    %select_n3A_222 = arith.select %eq3A_219, %broadcast_in_dim3A_221, %select_n3A_200 : vector<256x2048xi1>, vector<256x2048xf32>
    %reduce_max3A_223 = arith.constant dense<0xFF800000> : vector<256xf32>
    %reduce_max3A_224 = vector.multi_reduction <maximumf>, %select_n3A_222, %reduce_max3A_223 [1] : vector<256x2048xf32> to vector<256xf32>
    %broadcast_in_dim3A_225 = vector.shape_cast %reduce_max3A_224 : vector<256xf32> to vector<256x1xf32>
    %eq3A_226 = vector.broadcast %broadcast_in_dim3A_225 : vector<256x1xf32> to vector<256x2048xf32>
    %eq3A_227 = arith.cmpf oeq, %select_n3A_222, %eq3A_226 : vector<256x2048xf32>
    %jit3A_228 = arith.constant 2048 : i32
    %broadcast_in_dim3A_229 = vector.broadcast %jit3A_228 : i32 to vector<256x2048xi32>
    %select_n3A_230 = arith.select %eq3A_227, %iota3A, %broadcast_in_dim3A_229 : vector<256x2048xi1>, vector<256x2048xi32>
    %reduce_min3A_231 = arith.constant dense<2147483647> : vector<256xi32>
    %reduce_min3A_232 = vector.multi_reduction <minsi>, %select_n3A_230, %reduce_min3A_231 [1] : vector<256x2048xi32> to vector<256xi32>
    %broadcast_in_dim3A_233 = vector.shape_cast %reduce_min3A_232 : vector<256xi32> to vector<256x1xi32>
    %swap3A_234 = arith.constant 0 : index
    %swap3A_235 = arith.constant 0 : index
    %swap3A_236 = arith.constant 9 : index
    %swap3A_237 = vector.load %arg4[%swap3A_234, %swap3A_235, %swap3A_236] : memref<1x256x32xi32, #tpu.memory_space<vmem>>, vector<1x256x1xi32>
    %swap3A_238 = vector.shape_cast %swap3A_237 : vector<1x256x1xi32> to vector<256x1xi32>
    %swap3A_239 = vector.shape_cast %broadcast_in_dim3A_233 : vector<256x1xi32> to vector<1x256x1xi32>
    tpu.vector_store %arg4[%swap3A_234, %swap3A_235, %swap3A_236], %swap3A_239 {strides = array<i32>} : memref<1x256x32xi32, #tpu.memory_space<vmem>>, vector<1x256x1xi32>,
    %eq3A_240 = vector.broadcast %broadcast_in_dim3A_233 : vector<256x1xi32> to vector<256x2048xi32>
    %eq3A_241 = arith.cmpi eq, %iota3A, %eq3A_240 : vector<256x2048xi32>
    %jit3A_242 = arith.constant 0xFF800000 : f32
    %broadcast_in_dim3A_243 = vector.broadcast %jit3A_242 : f32 to vector<256x2048xf32>
    %select_n3A_244 = arith.select %eq3A_241, %broadcast_in_dim3A_243, %select_n3A_222 : vector<256x2048xi1>, vector<256x2048xf32>
    %reduce_max3A_245 = arith.constant dense<0xFF800000> : vector<256xf32>
    %reduce_max3A_246 = vector.multi_reduction <maximumf>, %select_n3A_244, %reduce_max3A_245 [1] : vector<256x2048xf32> to vector<256xf32>
    %broadcast_in_dim3A_247 = vector.shape_cast %reduce_max3A_246 : vector<256xf32> to vector<256x1xf32>
    %eq3A_248 = vector.broadcast %broadcast_in_dim3A_247 : vector<256x1xf32> to vector<256x2048xf32>
    %eq3A_249 = arith.cmpf oeq, %select_n3A_244, %eq3A_248 : vector<256x2048xf32>
    %jit3A_250 = arith.constant 2048 : i32
    %broadcast_in_dim3A_251 = vector.broadcast %jit3A_250 : i32 to vector<256x2048xi32>
    %select_n3A_252 = arith.select %eq3A_249, %iota3A, %broadcast_in_dim3A_251 : vector<256x2048xi1>, vector<256x2048xi32>
    %reduce_min3A_253 = arith.constant dense<2147483647> : vector<256xi32>
    %reduce_min3A_254 = vector.multi_reduction <minsi>, %select_n3A_252, %reduce_min3A_253 [1] : vector<256x2048xi32> to vector<256xi32>
    %broadcast_in_dim3A_255 = vector.shape_cast %reduce_min3A_254 : vector<256xi32> to vector<256x1xi32>
    %swap3A_256 = arith.constant 0 : index
    %swap3A_257 = arith.constant 0 : index
    %swap3A_258 = arith.constant 10 : index
    %swap3A_259 = vector.load %arg4[%swap3A_256, %swap3A_257, %swap3A_258] : memref<1x256x32xi32, #tpu.memory_space<vmem>>, vector<1x256x1xi32>
    %swap3A_260 = vector.shape_cast %swap3A_259 : vector<1x256x1xi32> to vector<256x1xi32>
    %swap3A_261 = vector.shape_cast %broadcast_in_dim3A_255 : vector<256x1xi32> to vector<1x256x1xi32>
    tpu.vector_store %arg4[%swap3A_256, %swap3A_257, %swap3A_258], %swap3A_261 {strides = array<i32>} : memref<1x256x32xi32, #tpu.memory_space<vmem>>, vector<1x256x1xi32>,
    %eq3A_262 = vector.broadcast %broadcast_in_dim3A_255 : vector<256x1xi32> to vector<256x2048xi32>
    %eq3A_263 = arith.cmpi eq, %iota3A, %eq3A_262 : vector<256x2048xi32>
    %jit3A_264 = arith.constant 0xFF800000 : f32
    %broadcast_in_dim3A_265 = vector.broadcast %jit3A_264 : f32 to vector<256x2048xf32>
    %select_n3A_266 = arith.select %eq3A_263, %broadcast_in_dim3A_265, %select_n3A_244 : vector<256x2048xi1>, vector<256x2048xf32>
    %reduce_max3A_267 = arith.constant dense<0xFF800000> : vector<256xf32>
    %reduce_max3A_268 = vector.multi_reduction <maximumf>, %select_n3A_266, %reduce_max3A_267 [1] : vector<256x2048xf32> to vector<256xf32>
    %broadcast_in_dim3A_269 = vector.shape_cast %reduce_max3A_268 : vector<256xf32> to vector<256x1xf32>
    %eq3A_270 = vector.broadcast %broadcast_in_dim3A_269 : vector<256x1xf32> to vector<256x2048xf32>
    %eq3A_271 = arith.cmpf oeq, %select_n3A_266, %eq3A_270 : vector<256x2048xf32>
    %jit3A_272 = arith.constant 2048 : i32
    %broadcast_in_dim3A_273 = vector.broadcast %jit3A_272 : i32 to vector<256x2048xi32>
    %select_n3A_274 = arith.select %eq3A_271, %iota3A, %broadcast_in_dim3A_273 : vector<256x2048xi1>, vector<256x2048xi32>
    %reduce_min3A_275 = arith.constant dense<2147483647> : vector<256xi32>
    %reduce_min3A_276 = vector.multi_reduction <minsi>, %select_n3A_274, %reduce_min3A_275 [1] : vector<256x2048xi32> to vector<256xi32>
    %broadcast_in_dim3A_277 = vector.shape_cast %reduce_min3A_276 : vector<256xi32> to vector<256x1xi32>
    %swap3A_278 = arith.constant 0 : index
    %swap3A_279 = arith.constant 0 : index
    %swap3A_280 = arith.constant 11 : index
    %swap3A_281 = vector.load %arg4[%swap3A_278, %swap3A_279, %swap3A_280] : memref<1x256x32xi32, #tpu.memory_space<vmem>>, vector<1x256x1xi32>
    %swap3A_282 = vector.shape_cast %swap3A_281 : vector<1x256x1xi32> to vector<256x1xi32>
    %swap3A_283 = vector.shape_cast %broadcast_in_dim3A_277 : vector<256x1xi32> to vector<1x256x1xi32>
    tpu.vector_store %arg4[%swap3A_278, %swap3A_279, %swap3A_280], %swap3A_283 {strides = array<i32>} : memref<1x256x32xi32, #tpu.memory_space<vmem>>, vector<1x256x1xi32>,
    %eq3A_284 = vector.broadcast %broadcast_in_dim3A_277 : vector<256x1xi32> to vector<256x2048xi32>
    %eq3A_285 = arith.cmpi eq, %iota3A, %eq3A_284 : vector<256x2048xi32>
    %jit3A_286 = arith.constant 0xFF800000 : f32
    %broadcast_in_dim3A_287 = vector.broadcast %jit3A_286 : f32 to vector<256x2048xf32>
    %select_n3A_288 = arith.select %eq3A_285, %broadcast_in_dim3A_287, %select_n3A_266 : vector<256x2048xi1>, vector<256x2048xf32>
    %reduce_max3A_289 = arith.constant dense<0xFF800000> : vector<256xf32>
    %reduce_max3A_290 = vector.multi_reduction <maximumf>, %select_n3A_288, %reduce_max3A_289 [1] : vector<256x2048xf32> to vector<256xf32>
    %broadcast_in_dim3A_291 = vector.shape_cast %reduce_max3A_290 : vector<256xf32> to vector<256x1xf32>
    %eq3A_292 = vector.broadcast %broadcast_in_dim3A_291 : vector<256x1xf32> to vector<256x2048xf32>
    %eq3A_293 = arith.cmpf oeq, %select_n3A_288, %eq3A_292 : vector<256x2048xf32>
    %jit3A_294 = arith.constant 2048 : i32
    %broadcast_in_dim3A_295 = vector.broadcast %jit3A_294 : i32 to vector<256x2048xi32>
    %select_n3A_296 = arith.select %eq3A_293, %iota3A, %broadcast_in_dim3A_295 : vector<256x2048xi1>, vector<256x2048xi32>
    %reduce_min3A_297 = arith.constant dense<2147483647> : vector<256xi32>
    %reduce_min3A_298 = vector.multi_reduction <minsi>, %select_n3A_296, %reduce_min3A_297 [1] : vector<256x2048xi32> to vector<256xi32>
    %broadcast_in_dim3A_299 = vector.shape_cast %reduce_min3A_298 : vector<256xi32> to vector<256x1xi32>
    %swap3A_300 = arith.constant 0 : index
    %swap3A_301 = arith.constant 0 : index
    %swap3A_302 = arith.constant 12 : index
    %swap3A_303 = vector.load %arg4[%swap3A_300, %swap3A_301, %swap3A_302] : memref<1x256x32xi32, #tpu.memory_space<vmem>>, vector<1x256x1xi32>
    %swap3A_304 = vector.shape_cast %swap3A_303 : vector<1x256x1xi32> to vector<256x1xi32>
    %swap3A_305 = vector.shape_cast %broadcast_in_dim3A_299 : vector<256x1xi32> to vector<1x256x1xi32>
    tpu.vector_store %arg4[%swap3A_300, %swap3A_301, %swap3A_302], %swap3A_305 {strides = array<i32>} : memref<1x256x32xi32, #tpu.memory_space<vmem>>, vector<1x256x1xi32>,
    %eq3A_306 = vector.broadcast %broadcast_in_dim3A_299 : vector<256x1xi32> to vector<256x2048xi32>
    %eq3A_307 = arith.cmpi eq, %iota3A, %eq3A_306 : vector<256x2048xi32>
    %jit3A_308 = arith.constant 0xFF800000 : f32
    %broadcast_in_dim3A_309 = vector.broadcast %jit3A_308 : f32 to vector<256x2048xf32>
    %select_n3A_310 = arith.select %eq3A_307, %broadcast_in_dim3A_309, %select_n3A_288 : vector<256x2048xi1>, vector<256x2048xf32>
    %reduce_max3A_311 = arith.constant dense<0xFF800000> : vector<256xf32>
    %reduce_max3A_312 = vector.multi_reduction <maximumf>, %select_n3A_310, %reduce_max3A_311 [1] : vector<256x2048xf32> to vector<256xf32>
    %broadcast_in_dim3A_313 = vector.shape_cast %reduce_max3A_312 : vector<256xf32> to vector<256x1xf32>
    %eq3A_314 = vector.broadcast %broadcast_in_dim3A_313 : vector<256x1xf32> to vector<256x2048xf32>
    %eq3A_315 = arith.cmpf oeq, %select_n3A_310, %eq3A_314 : vector<256x2048xf32>
    %jit3A_316 = arith.constant 2048 : i32
    %broadcast_in_dim3A_317 = vector.broadcast %jit3A_316 : i32 to vector<256x2048xi32>
    %select_n3A_318 = arith.select %eq3A_315, %iota3A, %broadcast_in_dim3A_317 : vector<256x2048xi1>, vector<256x2048xi32>
    %reduce_min3A_319 = arith.constant dense<2147483647> : vector<256xi32>
    %reduce_min3A_320 = vector.multi_reduction <minsi>, %select_n3A_318, %reduce_min3A_319 [1] : vector<256x2048xi32> to vector<256xi32>
    %broadcast_in_dim3A_321 = vector.shape_cast %reduce_min3A_320 : vector<256xi32> to vector<256x1xi32>
    %swap3A_322 = arith.constant 0 : index
    %swap3A_323 = arith.constant 0 : index
    %swap3A_324 = arith.constant 13 : index
    %swap3A_325 = vector.load %arg4[%swap3A_322, %swap3A_323, %swap3A_324] : memref<1x256x32xi32, #tpu.memory_space<vmem>>, vector<1x256x1xi32>
    %swap3A_326 = vector.shape_cast %swap3A_325 : vector<1x256x1xi32> to vector<256x1xi32>
    %swap3A_327 = vector.shape_cast %broadcast_in_dim3A_321 : vector<256x1xi32> to vector<1x256x1xi32>
    tpu.vector_store %arg4[%swap3A_322, %swap3A_323, %swap3A_324], %swap3A_327 {strides = array<i32>} : memref<1x256x32xi32, #tpu.memory_space<vmem>>, vector<1x256x1xi32>,
    %eq3A_328 = vector.broadcast %broadcast_in_dim3A_321 : vector<256x1xi32> to vector<256x2048xi32>
    %eq3A_329 = arith.cmpi eq, %iota3A, %eq3A_328 : vector<256x2048xi32>
    %jit3A_330 = arith.constant 0xFF800000 : f32
    %broadcast_in_dim3A_331 = vector.broadcast %jit3A_330 : f32 to vector<256x2048xf32>
    %select_n3A_332 = arith.select %eq3A_329, %broadcast_in_dim3A_331, %select_n3A_310 : vector<256x2048xi1>, vector<256x2048xf32>
    %reduce_max3A_333 = arith.constant dense<0xFF800000> : vector<256xf32>
    %reduce_max3A_334 = vector.multi_reduction <maximumf>, %select_n3A_332, %reduce_max3A_333 [1] : vector<256x2048xf32> to vector<256xf32>
    %broadcast_in_dim3A_335 = vector.shape_cast %reduce_max3A_334 : vector<256xf32> to vector<256x1xf32>
    %eq3A_336 = vector.broadcast %broadcast_in_dim3A_335 : vector<256x1xf32> to vector<256x2048xf32>
    %eq3A_337 = arith.cmpf oeq, %select_n3A_332, %eq3A_336 : vector<256x2048xf32>
    %jit3A_338 = arith.constant 2048 : i32
    %broadcast_in_dim3A_339 = vector.broadcast %jit3A_338 : i32 to vector<256x2048xi32>
    %select_n3A_340 = arith.select %eq3A_337, %iota3A, %broadcast_in_dim3A_339 : vector<256x2048xi1>, vector<256x2048xi32>
    %reduce_min3A_341 = arith.constant dense<2147483647> : vector<256xi32>
    %reduce_min3A_342 = vector.multi_reduction <minsi>, %select_n3A_340, %reduce_min3A_341 [1] : vector<256x2048xi32> to vector<256xi32>
    %broadcast_in_dim3A_343 = vector.shape_cast %reduce_min3A_342 : vector<256xi32> to vector<256x1xi32>
    %swap3A_344 = arith.constant 0 : index
    %swap3A_345 = arith.constant 0 : index
    %swap3A_346 = arith.constant 14 : index
    %swap3A_347 = vector.load %arg4[%swap3A_344, %swap3A_345, %swap3A_346] : memref<1x256x32xi32, #tpu.memory_space<vmem>>, vector<1x256x1xi32>
    %swap3A_348 = vector.shape_cast %swap3A_347 : vector<1x256x1xi32> to vector<256x1xi32>
    %swap3A_349 = vector.shape_cast %broadcast_in_dim3A_343 : vector<256x1xi32> to vector<1x256x1xi32>
    tpu.vector_store %arg4[%swap3A_344, %swap3A_345, %swap3A_346], %swap3A_349 {strides = array<i32>} : memref<1x256x32xi32, #tpu.memory_space<vmem>>, vector<1x256x1xi32>,
    %eq3A_350 = vector.broadcast %broadcast_in_dim3A_343 : vector<256x1xi32> to vector<256x2048xi32>
    %eq3A_351 = arith.cmpi eq, %iota3A, %eq3A_350 : vector<256x2048xi32>
    %jit3A_352 = arith.constant 0xFF800000 : f32
    %broadcast_in_dim3A_353 = vector.broadcast %jit3A_352 : f32 to vector<256x2048xf32>
    %select_n3A_354 = arith.select %eq3A_351, %broadcast_in_dim3A_353, %select_n3A_332 : vector<256x2048xi1>, vector<256x2048xf32>
    %reduce_max3A_355 = arith.constant dense<0xFF800000> : vector<256xf32>
    %reduce_max3A_356 = vector.multi_reduction <maximumf>, %select_n3A_354, %reduce_max3A_355 [1] : vector<256x2048xf32> to vector<256xf32>
    %broadcast_in_dim3A_357 = vector.shape_cast %reduce_max3A_356 : vector<256xf32> to vector<256x1xf32>
    %eq3A_358 = vector.broadcast %broadcast_in_dim3A_357 : vector<256x1xf32> to vector<256x2048xf32>
    %eq3A_359 = arith.cmpf oeq, %select_n3A_354, %eq3A_358 : vector<256x2048xf32>
    %jit3A_360 = arith.constant 2048 : i32
    %broadcast_in_dim3A_361 = vector.broadcast %jit3A_360 : i32 to vector<256x2048xi32>
    %select_n3A_362 = arith.select %eq3A_359, %iota3A, %broadcast_in_dim3A_361 : vector<256x2048xi1>, vector<256x2048xi32>
    %reduce_min3A_363 = arith.constant dense<2147483647> : vector<256xi32>
    %reduce_min3A_364 = vector.multi_reduction <minsi>, %select_n3A_362, %reduce_min3A_363 [1] : vector<256x2048xi32> to vector<256xi32>
    %broadcast_in_dim3A_365 = vector.shape_cast %reduce_min3A_364 : vector<256xi32> to vector<256x1xi32>
    %swap3A_366 = arith.constant 0 : index
    %swap3A_367 = arith.constant 0 : index
    %swap3A_368 = arith.constant 15 : index
    %swap3A_369 = vector.load %arg4[%swap3A_366, %swap3A_367, %swap3A_368] : memref<1x256x32xi32, #tpu.memory_space<vmem>>, vector<1x256x1xi32>
    %swap3A_370 = vector.shape_cast %swap3A_369 : vector<1x256x1xi32> to vector<256x1xi32>
    %swap3A_371 = vector.shape_cast %broadcast_in_dim3A_365 : vector<256x1xi32> to vector<1x256x1xi32>
    tpu.vector_store %arg4[%swap3A_366, %swap3A_367, %swap3A_368], %swap3A_371 {strides = array<i32>} : memref<1x256x32xi32, #tpu.memory_space<vmem>>, vector<1x256x1xi32>,
    %eq3A_372 = vector.broadcast %broadcast_in_dim3A_365 : vector<256x1xi32> to vector<256x2048xi32>
    %eq3A_373 = arith.cmpi eq, %iota3A, %eq3A_372 : vector<256x2048xi32>
    %jit3A_374 = arith.constant 0xFF800000 : f32
    %broadcast_in_dim3A_375 = vector.broadcast %jit3A_374 : f32 to vector<256x2048xf32>
    %select_n3A_376 = arith.select %eq3A_373, %broadcast_in_dim3A_375, %select_n3A_354 : vector<256x2048xi1>, vector<256x2048xf32>
    %reduce_max3A_377 = arith.constant dense<0xFF800000> : vector<256xf32>
    %reduce_max3A_378 = vector.multi_reduction <maximumf>, %select_n3A_376, %reduce_max3A_377 [1] : vector<256x2048xf32> to vector<256xf32>
    %broadcast_in_dim3A_379 = vector.shape_cast %reduce_max3A_378 : vector<256xf32> to vector<256x1xf32>
    %eq3A_380 = vector.broadcast %broadcast_in_dim3A_379 : vector<256x1xf32> to vector<256x2048xf32>
    %eq3A_381 = arith.cmpf oeq, %select_n3A_376, %eq3A_380 : vector<256x2048xf32>
    %jit3A_382 = arith.constant 2048 : i32
    %broadcast_in_dim3A_383 = vector.broadcast %jit3A_382 : i32 to vector<256x2048xi32>
    %select_n3A_384 = arith.select %eq3A_381, %iota3A, %broadcast_in_dim3A_383 : vector<256x2048xi1>, vector<256x2048xi32>
    %reduce_min3A_385 = arith.constant dense<2147483647> : vector<256xi32>
    %reduce_min3A_386 = vector.multi_reduction <minsi>, %select_n3A_384, %reduce_min3A_385 [1] : vector<256x2048xi32> to vector<256xi32>
    %broadcast_in_dim3A_387 = vector.shape_cast %reduce_min3A_386 : vector<256xi32> to vector<256x1xi32>
    %swap3A_388 = arith.constant 0 : index
    %swap3A_389 = arith.constant 0 : index
    %swap3A_390 = arith.constant 16 : index
    %swap3A_391 = vector.load %arg4[%swap3A_388, %swap3A_389, %swap3A_390] : memref<1x256x32xi32, #tpu.memory_space<vmem>>, vector<1x256x1xi32>
    %swap3A_392 = vector.shape_cast %swap3A_391 : vector<1x256x1xi32> to vector<256x1xi32>
    %swap3A_393 = vector.shape_cast %broadcast_in_dim3A_387 : vector<256x1xi32> to vector<1x256x1xi32>
    tpu.vector_store %arg4[%swap3A_388, %swap3A_389, %swap3A_390], %swap3A_393 {strides = array<i32>} : memref<1x256x32xi32, #tpu.memory_space<vmem>>, vector<1x256x1xi32>,
    %eq3A_394 = vector.broadcast %broadcast_in_dim3A_387 : vector<256x1xi32> to vector<256x2048xi32>
    %eq3A_395 = arith.cmpi eq, %iota3A, %eq3A_394 : vector<256x2048xi32>
    %jit3A_396 = arith.constant 0xFF800000 : f32
    %broadcast_in_dim3A_397 = vector.broadcast %jit3A_396 : f32 to vector<256x2048xf32>
    %select_n3A_398 = arith.select %eq3A_395, %broadcast_in_dim3A_397, %select_n3A_376 : vector<256x2048xi1>, vector<256x2048xf32>
    %reduce_max3A_399 = arith.constant dense<0xFF800000> : vector<256xf32>
    %reduce_max3A_400 = vector.multi_reduction <maximumf>, %select_n3A_398, %reduce_max3A_399 [1] : vector<256x2048xf32> to vector<256xf32>
    %broadcast_in_dim3A_401 = vector.shape_cast %reduce_max3A_400 : vector<256xf32> to vector<256x1xf32>
    %eq3A_402 = vector.broadcast %broadcast_in_dim3A_401 : vector<256x1xf32> to vector<256x2048xf32>
    %eq3A_403 = arith.cmpf oeq, %select_n3A_398, %eq3A_402 : vector<256x2048xf32>
    %jit3A_404 = arith.constant 2048 : i32
    %broadcast_in_dim3A_405 = vector.broadcast %jit3A_404 : i32 to vector<256x2048xi32>
    %select_n3A_406 = arith.select %eq3A_403, %iota3A, %broadcast_in_dim3A_405 : vector<256x2048xi1>, vector<256x2048xi32>
    %reduce_min3A_407 = arith.constant dense<2147483647> : vector<256xi32>
    %reduce_min3A_408 = vector.multi_reduction <minsi>, %select_n3A_406, %reduce_min3A_407 [1] : vector<256x2048xi32> to vector<256xi32>
    %broadcast_in_dim3A_409 = vector.shape_cast %reduce_min3A_408 : vector<256xi32> to vector<256x1xi32>
    %swap3A_410 = arith.constant 0 : index
    %swap3A_411 = arith.constant 0 : index
    %swap3A_412 = arith.constant 17 : index
    %swap3A_413 = vector.load %arg4[%swap3A_410, %swap3A_411, %swap3A_412] : memref<1x256x32xi32, #tpu.memory_space<vmem>>, vector<1x256x1xi32>
    %swap3A_414 = vector.shape_cast %swap3A_413 : vector<1x256x1xi32> to vector<256x1xi32>
    %swap3A_415 = vector.shape_cast %broadcast_in_dim3A_409 : vector<256x1xi32> to vector<1x256x1xi32>
    tpu.vector_store %arg4[%swap3A_410, %swap3A_411, %swap3A_412], %swap3A_415 {strides = array<i32>} : memref<1x256x32xi32, #tpu.memory_space<vmem>>, vector<1x256x1xi32>,
    %eq3A_416 = vector.broadcast %broadcast_in_dim3A_409 : vector<256x1xi32> to vector<256x2048xi32>
    %eq3A_417 = arith.cmpi eq, %iota3A, %eq3A_416 : vector<256x2048xi32>
    %jit3A_418 = arith.constant 0xFF800000 : f32
    %broadcast_in_dim3A_419 = vector.broadcast %jit3A_418 : f32 to vector<256x2048xf32>
    %select_n3A_420 = arith.select %eq3A_417, %broadcast_in_dim3A_419, %select_n3A_398 : vector<256x2048xi1>, vector<256x2048xf32>
    %reduce_max3A_421 = arith.constant dense<0xFF800000> : vector<256xf32>
    %reduce_max3A_422 = vector.multi_reduction <maximumf>, %select_n3A_420, %reduce_max3A_421 [1] : vector<256x2048xf32> to vector<256xf32>
    %broadcast_in_dim3A_423 = vector.shape_cast %reduce_max3A_422 : vector<256xf32> to vector<256x1xf32>
    %eq3A_424 = vector.broadcast %broadcast_in_dim3A_423 : vector<256x1xf32> to vector<256x2048xf32>
    %eq3A_425 = arith.cmpf oeq, %select_n3A_420, %eq3A_424 : vector<256x2048xf32>
    %jit3A_426 = arith.constant 2048 : i32
    %broadcast_in_dim3A_427 = vector.broadcast %jit3A_426 : i32 to vector<256x2048xi32>
    %select_n3A_428 = arith.select %eq3A_425, %iota3A, %broadcast_in_dim3A_427 : vector<256x2048xi1>, vector<256x2048xi32>
    %reduce_min3A_429 = arith.constant dense<2147483647> : vector<256xi32>
    %reduce_min3A_430 = vector.multi_reduction <minsi>, %select_n3A_428, %reduce_min3A_429 [1] : vector<256x2048xi32> to vector<256xi32>
    %broadcast_in_dim3A_431 = vector.shape_cast %reduce_min3A_430 : vector<256xi32> to vector<256x1xi32>
    %swap3A_432 = arith.constant 0 : index
    %swap3A_433 = arith.constant 0 : index
    %swap3A_434 = arith.constant 18 : index
    %swap3A_435 = vector.load %arg4[%swap3A_432, %swap3A_433, %swap3A_434] : memref<1x256x32xi32, #tpu.memory_space<vmem>>, vector<1x256x1xi32>
    %swap3A_436 = vector.shape_cast %swap3A_435 : vector<1x256x1xi32> to vector<256x1xi32>
    %swap3A_437 = vector.shape_cast %broadcast_in_dim3A_431 : vector<256x1xi32> to vector<1x256x1xi32>
    tpu.vector_store %arg4[%swap3A_432, %swap3A_433, %swap3A_434], %swap3A_437 {strides = array<i32>} : memref<1x256x32xi32, #tpu.memory_space<vmem>>, vector<1x256x1xi32>,
    %eq3A_438 = vector.broadcast %broadcast_in_dim3A_431 : vector<256x1xi32> to vector<256x2048xi32>
    %eq3A_439 = arith.cmpi eq, %iota3A, %eq3A_438 : vector<256x2048xi32>
    %jit3A_440 = arith.constant 0xFF800000 : f32
    %broadcast_in_dim3A_441 = vector.broadcast %jit3A_440 : f32 to vector<256x2048xf32>
    %select_n3A_442 = arith.select %eq3A_439, %broadcast_in_dim3A_441, %select_n3A_420 : vector<256x2048xi1>, vector<256x2048xf32>
    %reduce_max3A_443 = arith.constant dense<0xFF800000> : vector<256xf32>
    %reduce_max3A_444 = vector.multi_reduction <maximumf>, %select_n3A_442, %reduce_max3A_443 [1] : vector<256x2048xf32> to vector<256xf32>
    %broadcast_in_dim3A_445 = vector.shape_cast %reduce_max3A_444 : vector<256xf32> to vector<256x1xf32>
    %eq3A_446 = vector.broadcast %broadcast_in_dim3A_445 : vector<256x1xf32> to vector<256x2048xf32>
    %eq3A_447 = arith.cmpf oeq, %select_n3A_442, %eq3A_446 : vector<256x2048xf32>
    %jit3A_448 = arith.constant 2048 : i32
    %broadcast_in_dim3A_449 = vector.broadcast %jit3A_448 : i32 to vector<256x2048xi32>
    %select_n3A_450 = arith.select %eq3A_447, %iota3A, %broadcast_in_dim3A_449 : vector<256x2048xi1>, vector<256x2048xi32>
    %reduce_min3A_451 = arith.constant dense<2147483647> : vector<256xi32>
    %reduce_min3A_452 = vector.multi_reduction <minsi>, %select_n3A_450, %reduce_min3A_451 [1] : vector<256x2048xi32> to vector<256xi32>
    %broadcast_in_dim3A_453 = vector.shape_cast %reduce_min3A_452 : vector<256xi32> to vector<256x1xi32>
    %swap3A_454 = arith.constant 0 : index
    %swap3A_455 = arith.constant 0 : index
    %swap3A_456 = arith.constant 19 : index
    %swap3A_457 = vector.load %arg4[%swap3A_454, %swap3A_455, %swap3A_456] : memref<1x256x32xi32, #tpu.memory_space<vmem>>, vector<1x256x1xi32>
    %swap3A_458 = vector.shape_cast %swap3A_457 : vector<1x256x1xi32> to vector<256x1xi32>
    %swap3A_459 = vector.shape_cast %broadcast_in_dim3A_453 : vector<256x1xi32> to vector<1x256x1xi32>
    tpu.vector_store %arg4[%swap3A_454, %swap3A_455, %swap3A_456], %swap3A_459 {strides = array<i32>} : memref<1x256x32xi32, #tpu.memory_space<vmem>>, vector<1x256x1xi32>,
    return
  }
  func.func @transform_0(%arg0: i32, %arg1: i32) -> (i32, i32, i32) {
    %c0_i32 = arith.constant 0 : i32
    %c0_i32_0 = arith.constant 0 : i32
    %c0_i32_1 = arith.constant 0 : i32
    return %arg0, %c0_i32, %c0_i32_0 : i32, i32, i32
  }
  func.func @transform_1(%arg0: i32, %arg1: i32) -> (i32, i32, i32) {
    %c0_i32 = arith.constant 0 : i32
    %c0_i32_0 = arith.constant 0 : i32
    %c0_i32_1 = arith.constant 0 : i32
    return %arg0, %c0_i32, %c0_i32_0 : i32, i32, i32
  }
  func.func @transform_2(%arg0: i32, %arg1: i32) -> (i32, i32, i32) {
    %c0_i32 = arith.constant 0 : i32
    %c0_i32_0 = arith.constant 0 : i32
    return %arg0, %arg1, %c0_i32 : i32, i32, i32
  }
}

module attributes {stable_mosaic.version = 14 : i64} {
  func.func @_knn_kernel(%arg0: i32, %arg1: i32, %arg2: memref<1x128x2048xf32, #tpu.memory_space<vmem>>, %arg3: memref<1x1x2048xf32, #tpu.memory_space<vmem>>, %arg4: memref<1x256x32xi32, #tpu.memory_space<vmem>>) attributes {dimension_semantics = [#tpu.dimension_semantics<arbitrary>, #tpu.dimension_semantics<arbitrary>], iteration_bounds = array<i64: 8, 8>, scalar_prefetch = 0 : i64, scratch_operands = 0 : i64, tpu.core_type = #tpu.core_type<tc>, window_params = [{transform_indices = @transform_0, window_bounds = array<i64: 1, 128, 2048>}, {transform_indices = @transform_1, window_bounds = array<i64: 1, 1, 2048>}, {transform_indices = @transform_2, window_bounds = array<i64: 1, 256, 32>}]} {
    %get3A = arith.constant 0 : index
    %get3A_0 = arith.constant 0 : index
    %get3A_1 = arith.constant 0 : index
    %get3A_2 = vector.load %arg2[%get3A, %get3A_0, %get3A_1] : memref<1x128x2048xf32, #tpu.memory_space<vmem>>, vector<1x128x2048xf32>
    %get3A_3 = vector.shape_cast %get3A_2 : vector<1x128x2048xf32> to vector<128x2048xf32>
    %convert_element_type3A = arith.truncf %get3A_3 : vector<128x2048xf32> to vector<128x2048xbf16>
    %mul3A = arith.constant 256 : i32
    %mul3A_4 = arith.muli %arg1, %mul3A : i32
    %get3A_5 = arith.constant 0 : index
    %get3A_6 = arith.constant 0 : index
    %get3A_7 = arith.index_cast %mul3A_4 : i32 to index
    %get3A_8 = vector.load %arg2[%get3A_5, %get3A_6, %get3A_7] : memref<1x128x2048xf32, #tpu.memory_space<vmem>>, vector<1x128x256xf32>
    %get3A_9 = vector.shape_cast %get3A_8 : vector<1x128x256xf32> to vector<128x256xf32>
    %convert_element_type3A_10 = arith.truncf %get3A_9 : vector<128x256xf32> to vector<128x256xbf16>
    %dot_general3A = arith.constant dense<0.000000e+00> : vector<256x2048xf32>
    %dot_general3A_11 = tpu.matmul %convert_element_type3A_10, %convert_element_type3A, %dot_general3A {dimension_numbers = #tpu.dot_dimension_numbers<[0], [0], [1], [1], [0, 1, 1, 1], [], []>, transpose_lhs_hint = false} : vector<128x256xbf16>, vector<128x2048xbf16>, vector<256x2048xf32> -> vector<256x2048xf32>
    %mul3A_12 = arith.constant -2.000000e+00 : f32
    %mul3A_13 = vector.broadcast %mul3A_12 : f32 to vector<256x2048xf32>
    %mul3A_14 = arith.mulf %mul3A_13, %dot_general3A_11 : vector<256x2048xf32>
    %mul3A_15 = arith.constant 256 : i32
    %mul3A_16 = arith.muli %arg1, %mul3A_15 : i32
    %get3A_17 = arith.constant 0 : index
    %get3A_18 = arith.constant 0 : index
    %get3A_19 = arith.index_cast %mul3A_16 : i32 to index
    %get3A_20 = vector.load %arg3[%get3A_17, %get3A_18, %get3A_19] : memref<1x1x2048xf32, #tpu.memory_space<vmem>>, vector<1x1x256xf32>
    %get3A_21 = vector.shape_cast %get3A_20 : vector<1x1x256xf32> to vector<256xf32>
    %reshape3A = vector.shape_cast %get3A_21 : vector<256xf32> to vector<256x1xf32>
    %get3A_22 = arith.constant 0 : index
    %get3A_23 = arith.constant 0 : index
    %get3A_24 = arith.constant 0 : index
    %get3A_25 = vector.load %arg3[%get3A_22, %get3A_23, %get3A_24] : memref<1x1x2048xf32, #tpu.memory_space<vmem>>, vector<1x1x2048xf32>
    %get3A_26 = vector.shape_cast %get3A_25 : vector<1x1x2048xf32> to vector<1x2048xf32>
    %neg3A = arith.constant 0.000000e+00 : f32
    %neg3A_27 = vector.broadcast %neg3A : f32 to vector<1x2048xf32>
    %neg3A_28 = arith.subf %neg3A_27, %get3A_26 : vector<1x2048xf32>
    %sub3A = vector.broadcast %neg3A_28 : vector<1x2048xf32> to vector<256x2048xf32>
    %sub3A_29 = arith.subf %sub3A, %mul3A_14 : vector<256x2048xf32>
    %sub3A_30 = vector.broadcast %reshape3A : vector<256x1xf32> to vector<256x2048xf32>
    %sub3A_31 = arith.subf %sub3A_29, %sub3A_30 : vector<256x2048xf32>
    %iota3A = tpu.iota {dimensions = array<i32: 1>} : vector<256x2048xi32>
    %reduce_max3A = arith.constant dense<0xFF800000> : vector<256xf32>
    %reduce_max3A_32 = vector.multi_reduction <maximumf>, %sub3A_31, %reduce_max3A [1] : vector<256x2048xf32> to vector<256xf32>
    %broadcast_in_dim3A = vector.shape_cast %reduce_max3A_32 : vector<256xf32> to vector<256x1xf32>
    %eq3A = vector.broadcast %broadcast_in_dim3A : vector<256x1xf32> to vector<256x2048xf32>
    %eq3A_33 = arith.cmpf oeq, %sub3A_31, %eq3A : vector<256x2048xf32>
    %jit3A = arith.constant 2048 : i32
    %broadcast_in_dim3A_34 = vector.broadcast %jit3A : i32 to vector<256x2048xi32>
    %select_n3A = arith.select %eq3A_33, %iota3A, %broadcast_in_dim3A_34 : vector<256x2048xi1>, vector<256x2048xi32>
    %reduce_min3A = arith.constant dense<2147483647> : vector<256xi32>
    %reduce_min3A_35 = vector.multi_reduction <minsi>, %select_n3A, %reduce_min3A [1] : vector<256x2048xi32> to vector<256xi32>
    %broadcast_in_dim3A_36 = vector.shape_cast %reduce_min3A_35 : vector<256xi32> to vector<256x1xi32>
    %swap3A = arith.constant 0 : index
    %swap3A_37 = arith.constant 0 : index
    %swap3A_38 = arith.constant 0 : index
    %swap3A_39 = vector.load %arg4[%swap3A, %swap3A_37, %swap3A_38] : memref<1x256x32xi32, #tpu.memory_space<vmem>>, vector<1x256x1xi32>
    %swap3A_40 = vector.shape_cast %swap3A_39 : vector<1x256x1xi32> to vector<256x1xi32>
    %swap3A_41 = vector.shape_cast %broadcast_in_dim3A_36 : vector<256x1xi32> to vector<1x256x1xi32>
    tpu.vector_store %arg4[%swap3A, %swap3A_37, %swap3A_38], %swap3A_41 {strides = array<i32>} : memref<1x256x32xi32, #tpu.memory_space<vmem>>, vector<1x256x1xi32>,
    %eq3A_42 = vector.broadcast %broadcast_in_dim3A_36 : vector<256x1xi32> to vector<256x2048xi32>
    %eq3A_43 = arith.cmpi eq, %iota3A, %eq3A_42 : vector<256x2048xi32>
    %jit3A_44 = arith.constant 0xFF800000 : f32
    %broadcast_in_dim3A_45 = vector.broadcast %jit3A_44 : f32 to vector<256x2048xf32>
    %select_n3A_46 = arith.select %eq3A_43, %broadcast_in_dim3A_45, %sub3A_31 : vector<256x2048xi1>, vector<256x2048xf32>
    %reduce_max3A_47 = arith.constant dense<0xFF800000> : vector<256xf32>
    %reduce_max3A_48 = vector.multi_reduction <maximumf>, %select_n3A_46, %reduce_max3A_47 [1] : vector<256x2048xf32> to vector<256xf32>
    %broadcast_in_dim3A_49 = vector.shape_cast %reduce_max3A_48 : vector<256xf32> to vector<256x1xf32>
    %eq3A_50 = vector.broadcast %broadcast_in_dim3A_49 : vector<256x1xf32> to vector<256x2048xf32>
    %eq3A_51 = arith.cmpf oeq, %select_n3A_46, %eq3A_50 : vector<256x2048xf32>
    %jit3A_52 = arith.constant 2048 : i32
    %broadcast_in_dim3A_53 = vector.broadcast %jit3A_52 : i32 to vector<256x2048xi32>
    %select_n3A_54 = arith.select %eq3A_51, %iota3A, %broadcast_in_dim3A_53 : vector<256x2048xi1>, vector<256x2048xi32>
    %reduce_min3A_55 = arith.constant dense<2147483647> : vector<256xi32>
    %reduce_min3A_56 = vector.multi_reduction <minsi>, %select_n3A_54, %reduce_min3A_55 [1] : vector<256x2048xi32> to vector<256xi32>
    %broadcast_in_dim3A_57 = vector.shape_cast %reduce_min3A_56 : vector<256xi32> to vector<256x1xi32>
    %swap3A_58 = arith.constant 0 : index
    %swap3A_59 = arith.constant 0 : index
    %swap3A_60 = arith.constant 1 : index
    %swap3A_61 = vector.load %arg4[%swap3A_58, %swap3A_59, %swap3A_60] : memref<1x256x32xi32, #tpu.memory_space<vmem>>, vector<1x256x1xi32>
    %swap3A_62 = vector.shape_cast %swap3A_61 : vector<1x256x1xi32> to vector<256x1xi32>
    %swap3A_63 = vector.shape_cast %broadcast_in_dim3A_57 : vector<256x1xi32> to vector<1x256x1xi32>
    tpu.vector_store %arg4[%swap3A_58, %swap3A_59, %swap3A_60], %swap3A_63 {strides = array<i32>} : memref<1x256x32xi32, #tpu.memory_space<vmem>>, vector<1x256x1xi32>,
    %eq3A_64 = vector.broadcast %broadcast_in_dim3A_57 : vector<256x1xi32> to vector<256x2048xi32>
    %eq3A_65 = arith.cmpi eq, %iota3A, %eq3A_64 : vector<256x2048xi32>
    %jit3A_66 = arith.constant 0xFF800000 : f32
    %broadcast_in_dim3A_67 = vector.broadcast %jit3A_66 : f32 to vector<256x2048xf32>
    %select_n3A_68 = arith.select %eq3A_65, %broadcast_in_dim3A_67, %select_n3A_46 : vector<256x2048xi1>, vector<256x2048xf32>
    %reduce_max3A_69 = arith.constant dense<0xFF800000> : vector<256xf32>
    %reduce_max3A_70 = vector.multi_reduction <maximumf>, %select_n3A_68, %reduce_max3A_69 [1] : vector<256x2048xf32> to vector<256xf32>
    %broadcast_in_dim3A_71 = vector.shape_cast %reduce_max3A_70 : vector<256xf32> to vector<256x1xf32>
    %eq3A_72 = vector.broadcast %broadcast_in_dim3A_71 : vector<256x1xf32> to vector<256x2048xf32>
    %eq3A_73 = arith.cmpf oeq, %select_n3A_68, %eq3A_72 : vector<256x2048xf32>
    %jit3A_74 = arith.constant 2048 : i32
    %broadcast_in_dim3A_75 = vector.broadcast %jit3A_74 : i32 to vector<256x2048xi32>
    %select_n3A_76 = arith.select %eq3A_73, %iota3A, %broadcast_in_dim3A_75 : vector<256x2048xi1>, vector<256x2048xi32>
    %reduce_min3A_77 = arith.constant dense<2147483647> : vector<256xi32>
    %reduce_min3A_78 = vector.multi_reduction <minsi>, %select_n3A_76, %reduce_min3A_77 [1] : vector<256x2048xi32> to vector<256xi32>
    %broadcast_in_dim3A_79 = vector.shape_cast %reduce_min3A_78 : vector<256xi32> to vector<256x1xi32>
    %swap3A_80 = arith.constant 0 : index
    %swap3A_81 = arith.constant 0 : index
    %swap3A_82 = arith.constant 2 : index
    %swap3A_83 = vector.load %arg4[%swap3A_80, %swap3A_81, %swap3A_82] : memref<1x256x32xi32, #tpu.memory_space<vmem>>, vector<1x256x1xi32>
    %swap3A_84 = vector.shape_cast %swap3A_83 : vector<1x256x1xi32> to vector<256x1xi32>
    %swap3A_85 = vector.shape_cast %broadcast_in_dim3A_79 : vector<256x1xi32> to vector<1x256x1xi32>
    tpu.vector_store %arg4[%swap3A_80, %swap3A_81, %swap3A_82], %swap3A_85 {strides = array<i32>} : memref<1x256x32xi32, #tpu.memory_space<vmem>>, vector<1x256x1xi32>,
    %eq3A_86 = vector.broadcast %broadcast_in_dim3A_79 : vector<256x1xi32> to vector<256x2048xi32>
    %eq3A_87 = arith.cmpi eq, %iota3A, %eq3A_86 : vector<256x2048xi32>
    %jit3A_88 = arith.constant 0xFF800000 : f32
    %broadcast_in_dim3A_89 = vector.broadcast %jit3A_88 : f32 to vector<256x2048xf32>
    %select_n3A_90 = arith.select %eq3A_87, %broadcast_in_dim3A_89, %select_n3A_68 : vector<256x2048xi1>, vector<256x2048xf32>
    %reduce_max3A_91 = arith.constant dense<0xFF800000> : vector<256xf32>
    %reduce_max3A_92 = vector.multi_reduction <maximumf>, %select_n3A_90, %reduce_max3A_91 [1] : vector<256x2048xf32> to vector<256xf32>
    %broadcast_in_dim3A_93 = vector.shape_cast %reduce_max3A_92 : vector<256xf32> to vector<256x1xf32>
    %eq3A_94 = vector.broadcast %broadcast_in_dim3A_93 : vector<256x1xf32> to vector<256x2048xf32>
    %eq3A_95 = arith.cmpf oeq, %select_n3A_90, %eq3A_94 : vector<256x2048xf32>
    %jit3A_96 = arith.constant 2048 : i32
    %broadcast_in_dim3A_97 = vector.broadcast %jit3A_96 : i32 to vector<256x2048xi32>
    %select_n3A_98 = arith.select %eq3A_95, %iota3A, %broadcast_in_dim3A_97 : vector<256x2048xi1>, vector<256x2048xi32>
    %reduce_min3A_99 = arith.constant dense<2147483647> : vector<256xi32>
    %reduce_min3A_100 = vector.multi_reduction <minsi>, %select_n3A_98, %reduce_min3A_99 [1] : vector<256x2048xi32> to vector<256xi32>
    %broadcast_in_dim3A_101 = vector.shape_cast %reduce_min3A_100 : vector<256xi32> to vector<256x1xi32>
    %swap3A_102 = arith.constant 0 : index
    %swap3A_103 = arith.constant 0 : index
    %swap3A_104 = arith.constant 3 : index
    %swap3A_105 = vector.load %arg4[%swap3A_102, %swap3A_103, %swap3A_104] : memref<1x256x32xi32, #tpu.memory_space<vmem>>, vector<1x256x1xi32>
    %swap3A_106 = vector.shape_cast %swap3A_105 : vector<1x256x1xi32> to vector<256x1xi32>
    %swap3A_107 = vector.shape_cast %broadcast_in_dim3A_101 : vector<256x1xi32> to vector<1x256x1xi32>
    tpu.vector_store %arg4[%swap3A_102, %swap3A_103, %swap3A_104], %swap3A_107 {strides = array<i32>} : memref<1x256x32xi32, #tpu.memory_space<vmem>>, vector<1x256x1xi32>,
    %eq3A_108 = vector.broadcast %broadcast_in_dim3A_101 : vector<256x1xi32> to vector<256x2048xi32>
    %eq3A_109 = arith.cmpi eq, %iota3A, %eq3A_108 : vector<256x2048xi32>
    %jit3A_110 = arith.constant 0xFF800000 : f32
    %broadcast_in_dim3A_111 = vector.broadcast %jit3A_110 : f32 to vector<256x2048xf32>
    %select_n3A_112 = arith.select %eq3A_109, %broadcast_in_dim3A_111, %select_n3A_90 : vector<256x2048xi1>, vector<256x2048xf32>
    %reduce_max3A_113 = arith.constant dense<0xFF800000> : vector<256xf32>
    %reduce_max3A_114 = vector.multi_reduction <maximumf>, %select_n3A_112, %reduce_max3A_113 [1] : vector<256x2048xf32> to vector<256xf32>
    %broadcast_in_dim3A_115 = vector.shape_cast %reduce_max3A_114 : vector<256xf32> to vector<256x1xf32>
    %eq3A_116 = vector.broadcast %broadcast_in_dim3A_115 : vector<256x1xf32> to vector<256x2048xf32>
    %eq3A_117 = arith.cmpf oeq, %select_n3A_112, %eq3A_116 : vector<256x2048xf32>
    %jit3A_118 = arith.constant 2048 : i32
    %broadcast_in_dim3A_119 = vector.broadcast %jit3A_118 : i32 to vector<256x2048xi32>
    %select_n3A_120 = arith.select %eq3A_117, %iota3A, %broadcast_in_dim3A_119 : vector<256x2048xi1>, vector<256x2048xi32>
    %reduce_min3A_121 = arith.constant dense<2147483647> : vector<256xi32>
    %reduce_min3A_122 = vector.multi_reduction <minsi>, %select_n3A_120, %reduce_min3A_121 [1] : vector<256x2048xi32> to vector<256xi32>
    %broadcast_in_dim3A_123 = vector.shape_cast %reduce_min3A_122 : vector<256xi32> to vector<256x1xi32>
    %swap3A_124 = arith.constant 0 : index
    %swap3A_125 = arith.constant 0 : index
    %swap3A_126 = arith.constant 4 : index
    %swap3A_127 = vector.load %arg4[%swap3A_124, %swap3A_125, %swap3A_126] : memref<1x256x32xi32, #tpu.memory_space<vmem>>, vector<1x256x1xi32>
    %swap3A_128 = vector.shape_cast %swap3A_127 : vector<1x256x1xi32> to vector<256x1xi32>
    %swap3A_129 = vector.shape_cast %broadcast_in_dim3A_123 : vector<256x1xi32> to vector<1x256x1xi32>
    tpu.vector_store %arg4[%swap3A_124, %swap3A_125, %swap3A_126], %swap3A_129 {strides = array<i32>} : memref<1x256x32xi32, #tpu.memory_space<vmem>>, vector<1x256x1xi32>,
    %eq3A_130 = vector.broadcast %broadcast_in_dim3A_123 : vector<256x1xi32> to vector<256x2048xi32>
    %eq3A_131 = arith.cmpi eq, %iota3A, %eq3A_130 : vector<256x2048xi32>
    %jit3A_132 = arith.constant 0xFF800000 : f32
    %broadcast_in_dim3A_133 = vector.broadcast %jit3A_132 : f32 to vector<256x2048xf32>
    %select_n3A_134 = arith.select %eq3A_131, %broadcast_in_dim3A_133, %select_n3A_112 : vector<256x2048xi1>, vector<256x2048xf32>
    %reduce_max3A_135 = arith.constant dense<0xFF800000> : vector<256xf32>
    %reduce_max3A_136 = vector.multi_reduction <maximumf>, %select_n3A_134, %reduce_max3A_135 [1] : vector<256x2048xf32> to vector<256xf32>
    %broadcast_in_dim3A_137 = vector.shape_cast %reduce_max3A_136 : vector<256xf32> to vector<256x1xf32>
    %eq3A_138 = vector.broadcast %broadcast_in_dim3A_137 : vector<256x1xf32> to vector<256x2048xf32>
    %eq3A_139 = arith.cmpf oeq, %select_n3A_134, %eq3A_138 : vector<256x2048xf32>
    %jit3A_140 = arith.constant 2048 : i32
    %broadcast_in_dim3A_141 = vector.broadcast %jit3A_140 : i32 to vector<256x2048xi32>
    %select_n3A_142 = arith.select %eq3A_139, %iota3A, %broadcast_in_dim3A_141 : vector<256x2048xi1>, vector<256x2048xi32>
    %reduce_min3A_143 = arith.constant dense<2147483647> : vector<256xi32>
    %reduce_min3A_144 = vector.multi_reduction <minsi>, %select_n3A_142, %reduce_min3A_143 [1] : vector<256x2048xi32> to vector<256xi32>
    %broadcast_in_dim3A_145 = vector.shape_cast %reduce_min3A_144 : vector<256xi32> to vector<256x1xi32>
    %swap3A_146 = arith.constant 0 : index
    %swap3A_147 = arith.constant 0 : index
    %swap3A_148 = arith.constant 5 : index
    %swap3A_149 = vector.load %arg4[%swap3A_146, %swap3A_147, %swap3A_148] : memref<1x256x32xi32, #tpu.memory_space<vmem>>, vector<1x256x1xi32>
    %swap3A_150 = vector.shape_cast %swap3A_149 : vector<1x256x1xi32> to vector<256x1xi32>
    %swap3A_151 = vector.shape_cast %broadcast_in_dim3A_145 : vector<256x1xi32> to vector<1x256x1xi32>
    tpu.vector_store %arg4[%swap3A_146, %swap3A_147, %swap3A_148], %swap3A_151 {strides = array<i32>} : memref<1x256x32xi32, #tpu.memory_space<vmem>>, vector<1x256x1xi32>,
    %eq3A_152 = vector.broadcast %broadcast_in_dim3A_145 : vector<256x1xi32> to vector<256x2048xi32>
    %eq3A_153 = arith.cmpi eq, %iota3A, %eq3A_152 : vector<256x2048xi32>
    %jit3A_154 = arith.constant 0xFF800000 : f32
    %broadcast_in_dim3A_155 = vector.broadcast %jit3A_154 : f32 to vector<256x2048xf32>
    %select_n3A_156 = arith.select %eq3A_153, %broadcast_in_dim3A_155, %select_n3A_134 : vector<256x2048xi1>, vector<256x2048xf32>
    %reduce_max3A_157 = arith.constant dense<0xFF800000> : vector<256xf32>
    %reduce_max3A_158 = vector.multi_reduction <maximumf>, %select_n3A_156, %reduce_max3A_157 [1] : vector<256x2048xf32> to vector<256xf32>
    %broadcast_in_dim3A_159 = vector.shape_cast %reduce_max3A_158 : vector<256xf32> to vector<256x1xf32>
    %eq3A_160 = vector.broadcast %broadcast_in_dim3A_159 : vector<256x1xf32> to vector<256x2048xf32>
    %eq3A_161 = arith.cmpf oeq, %select_n3A_156, %eq3A_160 : vector<256x2048xf32>
    %jit3A_162 = arith.constant 2048 : i32
    %broadcast_in_dim3A_163 = vector.broadcast %jit3A_162 : i32 to vector<256x2048xi32>
    %select_n3A_164 = arith.select %eq3A_161, %iota3A, %broadcast_in_dim3A_163 : vector<256x2048xi1>, vector<256x2048xi32>
    %reduce_min3A_165 = arith.constant dense<2147483647> : vector<256xi32>
    %reduce_min3A_166 = vector.multi_reduction <minsi>, %select_n3A_164, %reduce_min3A_165 [1] : vector<256x2048xi32> to vector<256xi32>
    %broadcast_in_dim3A_167 = vector.shape_cast %reduce_min3A_166 : vector<256xi32> to vector<256x1xi32>
    %swap3A_168 = arith.constant 0 : index
    %swap3A_169 = arith.constant 0 : index
    %swap3A_170 = arith.constant 6 : index
    %swap3A_171 = vector.load %arg4[%swap3A_168, %swap3A_169, %swap3A_170] : memref<1x256x32xi32, #tpu.memory_space<vmem>>, vector<1x256x1xi32>
    %swap3A_172 = vector.shape_cast %swap3A_171 : vector<1x256x1xi32> to vector<256x1xi32>
    %swap3A_173 = vector.shape_cast %broadcast_in_dim3A_167 : vector<256x1xi32> to vector<1x256x1xi32>
    tpu.vector_store %arg4[%swap3A_168, %swap3A_169, %swap3A_170], %swap3A_173 {strides = array<i32>} : memref<1x256x32xi32, #tpu.memory_space<vmem>>, vector<1x256x1xi32>,
    %eq3A_174 = vector.broadcast %broadcast_in_dim3A_167 : vector<256x1xi32> to vector<256x2048xi32>
    %eq3A_175 = arith.cmpi eq, %iota3A, %eq3A_174 : vector<256x2048xi32>
    %jit3A_176 = arith.constant 0xFF800000 : f32
    %broadcast_in_dim3A_177 = vector.broadcast %jit3A_176 : f32 to vector<256x2048xf32>
    %select_n3A_178 = arith.select %eq3A_175, %broadcast_in_dim3A_177, %select_n3A_156 : vector<256x2048xi1>, vector<256x2048xf32>
    %reduce_max3A_179 = arith.constant dense<0xFF800000> : vector<256xf32>
    %reduce_max3A_180 = vector.multi_reduction <maximumf>, %select_n3A_178, %reduce_max3A_179 [1] : vector<256x2048xf32> to vector<256xf32>
    %broadcast_in_dim3A_181 = vector.shape_cast %reduce_max3A_180 : vector<256xf32> to vector<256x1xf32>
    %eq3A_182 = vector.broadcast %broadcast_in_dim3A_181 : vector<256x1xf32> to vector<256x2048xf32>
    %eq3A_183 = arith.cmpf oeq, %select_n3A_178, %eq3A_182 : vector<256x2048xf32>
    %jit3A_184 = arith.constant 2048 : i32
    %broadcast_in_dim3A_185 = vector.broadcast %jit3A_184 : i32 to vector<256x2048xi32>
    %select_n3A_186 = arith.select %eq3A_183, %iota3A, %broadcast_in_dim3A_185 : vector<256x2048xi1>, vector<256x2048xi32>
    %reduce_min3A_187 = arith.constant dense<2147483647> : vector<256xi32>
    %reduce_min3A_188 = vector.multi_reduction <minsi>, %select_n3A_186, %reduce_min3A_187 [1] : vector<256x2048xi32> to vector<256xi32>
    %broadcast_in_dim3A_189 = vector.shape_cast %reduce_min3A_188 : vector<256xi32> to vector<256x1xi32>
    %swap3A_190 = arith.constant 0 : index
    %swap3A_191 = arith.constant 0 : index
    %swap3A_192 = arith.constant 7 : index
    %swap3A_193 = vector.load %arg4[%swap3A_190, %swap3A_191, %swap3A_192] : memref<1x256x32xi32, #tpu.memory_space<vmem>>, vector<1x256x1xi32>
    %swap3A_194 = vector.shape_cast %swap3A_193 : vector<1x256x1xi32> to vector<256x1xi32>
    %swap3A_195 = vector.shape_cast %broadcast_in_dim3A_189 : vector<256x1xi32> to vector<1x256x1xi32>
    tpu.vector_store %arg4[%swap3A_190, %swap3A_191, %swap3A_192], %swap3A_195 {strides = array<i32>} : memref<1x256x32xi32, #tpu.memory_space<vmem>>, vector<1x256x1xi32>,
    %eq3A_196 = vector.broadcast %broadcast_in_dim3A_189 : vector<256x1xi32> to vector<256x2048xi32>
    %eq3A_197 = arith.cmpi eq, %iota3A, %eq3A_196 : vector<256x2048xi32>
    %jit3A_198 = arith.constant 0xFF800000 : f32
    %broadcast_in_dim3A_199 = vector.broadcast %jit3A_198 : f32 to vector<256x2048xf32>
    %select_n3A_200 = arith.select %eq3A_197, %broadcast_in_dim3A_199, %select_n3A_178 : vector<256x2048xi1>, vector<256x2048xf32>
    %reduce_max3A_201 = arith.constant dense<0xFF800000> : vector<256xf32>
    %reduce_max3A_202 = vector.multi_reduction <maximumf>, %select_n3A_200, %reduce_max3A_201 [1] : vector<256x2048xf32> to vector<256xf32>
    %broadcast_in_dim3A_203 = vector.shape_cast %reduce_max3A_202 : vector<256xf32> to vector<256x1xf32>
    %eq3A_204 = vector.broadcast %broadcast_in_dim3A_203 : vector<256x1xf32> to vector<256x2048xf32>
    %eq3A_205 = arith.cmpf oeq, %select_n3A_200, %eq3A_204 : vector<256x2048xf32>
    %jit3A_206 = arith.constant 2048 : i32
    %broadcast_in_dim3A_207 = vector.broadcast %jit3A_206 : i32 to vector<256x2048xi32>
    %select_n3A_208 = arith.select %eq3A_205, %iota3A, %broadcast_in_dim3A_207 : vector<256x2048xi1>, vector<256x2048xi32>
    %reduce_min3A_209 = arith.constant dense<2147483647> : vector<256xi32>
    %reduce_min3A_210 = vector.multi_reduction <minsi>, %select_n3A_208, %reduce_min3A_209 [1] : vector<256x2048xi32> to vector<256xi32>
    %broadcast_in_dim3A_211 = vector.shape_cast %reduce_min3A_210 : vector<256xi32> to vector<256x1xi32>
    %swap3A_212 = arith.constant 0 : index
    %swap3A_213 = arith.constant 0 : index
    %swap3A_214 = arith.constant 8 : index
    %swap3A_215 = vector.load %arg4[%swap3A_212, %swap3A_213, %swap3A_214] : memref<1x256x32xi32, #tpu.memory_space<vmem>>, vector<1x256x1xi32>
    %swap3A_216 = vector.shape_cast %swap3A_215 : vector<1x256x1xi32> to vector<256x1xi32>
    %swap3A_217 = vector.shape_cast %broadcast_in_dim3A_211 : vector<256x1xi32> to vector<1x256x1xi32>
    tpu.vector_store %arg4[%swap3A_212, %swap3A_213, %swap3A_214], %swap3A_217 {strides = array<i32>} : memref<1x256x32xi32, #tpu.memory_space<vmem>>, vector<1x256x1xi32>,
    %eq3A_218 = vector.broadcast %broadcast_in_dim3A_211 : vector<256x1xi32> to vector<256x2048xi32>
    %eq3A_219 = arith.cmpi eq, %iota3A, %eq3A_218 : vector<256x2048xi32>
    %jit3A_220 = arith.constant 0xFF800000 : f32
    %broadcast_in_dim3A_221 = vector.broadcast %jit3A_220 : f32 to vector<256x2048xf32>
    %select_n3A_222 = arith.select %eq3A_219, %broadcast_in_dim3A_221, %select_n3A_200 : vector<256x2048xi1>, vector<256x2048xf32>
    %reduce_max3A_223 = arith.constant dense<0xFF800000> : vector<256xf32>
    %reduce_max3A_224 = vector.multi_reduction <maximumf>, %select_n3A_222, %reduce_max3A_223 [1] : vector<256x2048xf32> to vector<256xf32>
    %broadcast_in_dim3A_225 = vector.shape_cast %reduce_max3A_224 : vector<256xf32> to vector<256x1xf32>
    %eq3A_226 = vector.broadcast %broadcast_in_dim3A_225 : vector<256x1xf32> to vector<256x2048xf32>
    %eq3A_227 = arith.cmpf oeq, %select_n3A_222, %eq3A_226 : vector<256x2048xf32>
    %jit3A_228 = arith.constant 2048 : i32
    %broadcast_in_dim3A_229 = vector.broadcast %jit3A_228 : i32 to vector<256x2048xi32>
    %select_n3A_230 = arith.select %eq3A_227, %iota3A, %broadcast_in_dim3A_229 : vector<256x2048xi1>, vector<256x2048xi32>
    %reduce_min3A_231 = arith.constant dense<2147483647> : vector<256xi32>
    %reduce_min3A_232 = vector.multi_reduction <minsi>, %select_n3A_230, %reduce_min3A_231 [1] : vector<256x2048xi32> to vector<256xi32>
    %broadcast_in_dim3A_233 = vector.shape_cast %reduce_min3A_232 : vector<256xi32> to vector<256x1xi32>
    %swap3A_234 = arith.constant 0 : index
    %swap3A_235 = arith.constant 0 : index
    %swap3A_236 = arith.constant 9 : index
    %swap3A_237 = vector.load %arg4[%swap3A_234, %swap3A_235, %swap3A_236] : memref<1x256x32xi32, #tpu.memory_space<vmem>>, vector<1x256x1xi32>
    %swap3A_238 = vector.shape_cast %swap3A_237 : vector<1x256x1xi32> to vector<256x1xi32>
    %swap3A_239 = vector.shape_cast %broadcast_in_dim3A_233 : vector<256x1xi32> to vector<1x256x1xi32>
    tpu.vector_store %arg4[%swap3A_234, %swap3A_235, %swap3A_236], %swap3A_239 {strides = array<i32>} : memref<1x256x32xi32, #tpu.memory_space<vmem>>, vector<1x256x1xi32>,
    %eq3A_240 = vector.broadcast %broadcast_in_dim3A_233 : vector<256x1xi32> to vector<256x2048xi32>
    %eq3A_241 = arith.cmpi eq, %iota3A, %eq3A_240 : vector<256x2048xi32>
    %jit3A_242 = arith.constant 0xFF800000 : f32
    %broadcast_in_dim3A_243 = vector.broadcast %jit3A_242 : f32 to vector<256x2048xf32>
    %select_n3A_244 = arith.select %eq3A_241, %broadcast_in_dim3A_243, %select_n3A_222 : vector<256x2048xi1>, vector<256x2048xf32>
    %reduce_max3A_245 = arith.constant dense<0xFF800000> : vector<256xf32>
    %reduce_max3A_246 = vector.multi_reduction <maximumf>, %select_n3A_244, %reduce_max3A_245 [1] : vector<256x2048xf32> to vector<256xf32>
    %broadcast_in_dim3A_247 = vector.shape_cast %reduce_max3A_246 : vector<256xf32> to vector<256x1xf32>
    %eq3A_248 = vector.broadcast %broadcast_in_dim3A_247 : vector<256x1xf32> to vector<256x2048xf32>
    %eq3A_249 = arith.cmpf oeq, %select_n3A_244, %eq3A_248 : vector<256x2048xf32>
    %jit3A_250 = arith.constant 2048 : i32
    %broadcast_in_dim3A_251 = vector.broadcast %jit3A_250 : i32 to vector<256x2048xi32>
    %select_n3A_252 = arith.select %eq3A_249, %iota3A, %broadcast_in_dim3A_251 : vector<256x2048xi1>, vector<256x2048xi32>
    %reduce_min3A_253 = arith.constant dense<2147483647> : vector<256xi32>
    %reduce_min3A_254 = vector.multi_reduction <minsi>, %select_n3A_252, %reduce_min3A_253 [1] : vector<256x2048xi32> to vector<256xi32>
    %broadcast_in_dim3A_255 = vector.shape_cast %reduce_min3A_254 : vector<256xi32> to vector<256x1xi32>
    %swap3A_256 = arith.constant 0 : index
    %swap3A_257 = arith.constant 0 : index
    %swap3A_258 = arith.constant 10 : index
    %swap3A_259 = vector.load %arg4[%swap3A_256, %swap3A_257, %swap3A_258] : memref<1x256x32xi32, #tpu.memory_space<vmem>>, vector<1x256x1xi32>
    %swap3A_260 = vector.shape_cast %swap3A_259 : vector<1x256x1xi32> to vector<256x1xi32>
    %swap3A_261 = vector.shape_cast %broadcast_in_dim3A_255 : vector<256x1xi32> to vector<1x256x1xi32>
    tpu.vector_store %arg4[%swap3A_256, %swap3A_257, %swap3A_258], %swap3A_261 {strides = array<i32>} : memref<1x256x32xi32, #tpu.memory_space<vmem>>, vector<1x256x1xi32>,
    %eq3A_262 = vector.broadcast %broadcast_in_dim3A_255 : vector<256x1xi32> to vector<256x2048xi32>
    %eq3A_263 = arith.cmpi eq, %iota3A, %eq3A_262 : vector<256x2048xi32>
    %jit3A_264 = arith.constant 0xFF800000 : f32
    %broadcast_in_dim3A_265 = vector.broadcast %jit3A_264 : f32 to vector<256x2048xf32>
    %select_n3A_266 = arith.select %eq3A_263, %broadcast_in_dim3A_265, %select_n3A_244 : vector<256x2048xi1>, vector<256x2048xf32>
    %reduce_max3A_267 = arith.constant dense<0xFF800000> : vector<256xf32>
    %reduce_max3A_268 = vector.multi_reduction <maximumf>, %select_n3A_266, %reduce_max3A_267 [1] : vector<256x2048xf32> to vector<256xf32>
    %broadcast_in_dim3A_269 = vector.shape_cast %reduce_max3A_268 : vector<256xf32> to vector<256x1xf32>
    %eq3A_270 = vector.broadcast %broadcast_in_dim3A_269 : vector<256x1xf32> to vector<256x2048xf32>
    %eq3A_271 = arith.cmpf oeq, %select_n3A_266, %eq3A_270 : vector<256x2048xf32>
    %jit3A_272 = arith.constant 2048 : i32
    %broadcast_in_dim3A_273 = vector.broadcast %jit3A_272 : i32 to vector<256x2048xi32>
    %select_n3A_274 = arith.select %eq3A_271, %iota3A, %broadcast_in_dim3A_273 : vector<256x2048xi1>, vector<256x2048xi32>
    %reduce_min3A_275 = arith.constant dense<2147483647> : vector<256xi32>
    %reduce_min3A_276 = vector.multi_reduction <minsi>, %select_n3A_274, %reduce_min3A_275 [1] : vector<256x2048xi32> to vector<256xi32>
    %broadcast_in_dim3A_277 = vector.shape_cast %reduce_min3A_276 : vector<256xi32> to vector<256x1xi32>
    %swap3A_278 = arith.constant 0 : index
    %swap3A_279 = arith.constant 0 : index
    %swap3A_280 = arith.constant 11 : index
    %swap3A_281 = vector.load %arg4[%swap3A_278, %swap3A_279, %swap3A_280] : memref<1x256x32xi32, #tpu.memory_space<vmem>>, vector<1x256x1xi32>
    %swap3A_282 = vector.shape_cast %swap3A_281 : vector<1x256x1xi32> to vector<256x1xi32>
    %swap3A_283 = vector.shape_cast %broadcast_in_dim3A_277 : vector<256x1xi32> to vector<1x256x1xi32>
    tpu.vector_store %arg4[%swap3A_278, %swap3A_279, %swap3A_280], %swap3A_283 {strides = array<i32>} : memref<1x256x32xi32, #tpu.memory_space<vmem>>, vector<1x256x1xi32>,
    %eq3A_284 = vector.broadcast %broadcast_in_dim3A_277 : vector<256x1xi32> to vector<256x2048xi32>
    %eq3A_285 = arith.cmpi eq, %iota3A, %eq3A_284 : vector<256x2048xi32>
    %jit3A_286 = arith.constant 0xFF800000 : f32
    %broadcast_in_dim3A_287 = vector.broadcast %jit3A_286 : f32 to vector<256x2048xf32>
    %select_n3A_288 = arith.select %eq3A_285, %broadcast_in_dim3A_287, %select_n3A_266 : vector<256x2048xi1>, vector<256x2048xf32>
    %reduce_max3A_289 = arith.constant dense<0xFF800000> : vector<256xf32>
    %reduce_max3A_290 = vector.multi_reduction <maximumf>, %select_n3A_288, %reduce_max3A_289 [1] : vector<256x2048xf32> to vector<256xf32>
    %broadcast_in_dim3A_291 = vector.shape_cast %reduce_max3A_290 : vector<256xf32> to vector<256x1xf32>
    %eq3A_292 = vector.broadcast %broadcast_in_dim3A_291 : vector<256x1xf32> to vector<256x2048xf32>
    %eq3A_293 = arith.cmpf oeq, %select_n3A_288, %eq3A_292 : vector<256x2048xf32>
    %jit3A_294 = arith.constant 2048 : i32
    %broadcast_in_dim3A_295 = vector.broadcast %jit3A_294 : i32 to vector<256x2048xi32>
    %select_n3A_296 = arith.select %eq3A_293, %iota3A, %broadcast_in_dim3A_295 : vector<256x2048xi1>, vector<256x2048xi32>
    %reduce_min3A_297 = arith.constant dense<2147483647> : vector<256xi32>
    %reduce_min3A_298 = vector.multi_reduction <minsi>, %select_n3A_296, %reduce_min3A_297 [1] : vector<256x2048xi32> to vector<256xi32>
    %broadcast_in_dim3A_299 = vector.shape_cast %reduce_min3A_298 : vector<256xi32> to vector<256x1xi32>
    %swap3A_300 = arith.constant 0 : index
    %swap3A_301 = arith.constant 0 : index
    %swap3A_302 = arith.constant 12 : index
    %swap3A_303 = vector.load %arg4[%swap3A_300, %swap3A_301, %swap3A_302] : memref<1x256x32xi32, #tpu.memory_space<vmem>>, vector<1x256x1xi32>
    %swap3A_304 = vector.shape_cast %swap3A_303 : vector<1x256x1xi32> to vector<256x1xi32>
    %swap3A_305 = vector.shape_cast %broadcast_in_dim3A_299 : vector<256x1xi32> to vector<1x256x1xi32>
    tpu.vector_store %arg4[%swap3A_300, %swap3A_301, %swap3A_302], %swap3A_305 {strides = array<i32>} : memref<1x256x32xi32, #tpu.memory_space<vmem>>, vector<1x256x1xi32>,
    %eq3A_306 = vector.broadcast %broadcast_in_dim3A_299 : vector<256x1xi32> to vector<256x2048xi32>
    %eq3A_307 = arith.cmpi eq, %iota3A, %eq3A_306 : vector<256x2048xi32>
    %jit3A_308 = arith.constant 0xFF800000 : f32
    %broadcast_in_dim3A_309 = vector.broadcast %jit3A_308 : f32 to vector<256x2048xf32>
    %select_n3A_310 = arith.select %eq3A_307, %broadcast_in_dim3A_309, %select_n3A_288 : vector<256x2048xi1>, vector<256x2048xf32>
    %reduce_max3A_311 = arith.constant dense<0xFF800000> : vector<256xf32>
    %reduce_max3A_312 = vector.multi_reduction <maximumf>, %select_n3A_310, %reduce_max3A_311 [1] : vector<256x2048xf32> to vector<256xf32>
    %broadcast_in_dim3A_313 = vector.shape_cast %reduce_max3A_312 : vector<256xf32> to vector<256x1xf32>
    %eq3A_314 = vector.broadcast %broadcast_in_dim3A_313 : vector<256x1xf32> to vector<256x2048xf32>
    %eq3A_315 = arith.cmpf oeq, %select_n3A_310, %eq3A_314 : vector<256x2048xf32>
    %jit3A_316 = arith.constant 2048 : i32
    %broadcast_in_dim3A_317 = vector.broadcast %jit3A_316 : i32 to vector<256x2048xi32>
    %select_n3A_318 = arith.select %eq3A_315, %iota3A, %broadcast_in_dim3A_317 : vector<256x2048xi1>, vector<256x2048xi32>
    %reduce_min3A_319 = arith.constant dense<2147483647> : vector<256xi32>
    %reduce_min3A_320 = vector.multi_reduction <minsi>, %select_n3A_318, %reduce_min3A_319 [1] : vector<256x2048xi32> to vector<256xi32>
    %broadcast_in_dim3A_321 = vector.shape_cast %reduce_min3A_320 : vector<256xi32> to vector<256x1xi32>
    %swap3A_322 = arith.constant 0 : index
    %swap3A_323 = arith.constant 0 : index
    %swap3A_324 = arith.constant 13 : index
    %swap3A_325 = vector.load %arg4[%swap3A_322, %swap3A_323, %swap3A_324] : memref<1x256x32xi32, #tpu.memory_space<vmem>>, vector<1x256x1xi32>
    %swap3A_326 = vector.shape_cast %swap3A_325 : vector<1x256x1xi32> to vector<256x1xi32>
    %swap3A_327 = vector.shape_cast %broadcast_in_dim3A_321 : vector<256x1xi32> to vector<1x256x1xi32>
    tpu.vector_store %arg4[%swap3A_322, %swap3A_323, %swap3A_324], %swap3A_327 {strides = array<i32>} : memref<1x256x32xi32, #tpu.memory_space<vmem>>, vector<1x256x1xi32>,
    %eq3A_328 = vector.broadcast %broadcast_in_dim3A_321 : vector<256x1xi32> to vector<256x2048xi32>
    %eq3A_329 = arith.cmpi eq, %iota3A, %eq3A_328 : vector<256x2048xi32>
    %jit3A_330 = arith.constant 0xFF800000 : f32
    %broadcast_in_dim3A_331 = vector.broadcast %jit3A_330 : f32 to vector<256x2048xf32>
    %select_n3A_332 = arith.select %eq3A_329, %broadcast_in_dim3A_331, %select_n3A_310 : vector<256x2048xi1>, vector<256x2048xf32>
    %reduce_max3A_333 = arith.constant dense<0xFF800000> : vector<256xf32>
    %reduce_max3A_334 = vector.multi_reduction <maximumf>, %select_n3A_332, %reduce_max3A_333 [1] : vector<256x2048xf32> to vector<256xf32>
    %broadcast_in_dim3A_335 = vector.shape_cast %reduce_max3A_334 : vector<256xf32> to vector<256x1xf32>
    %eq3A_336 = vector.broadcast %broadcast_in_dim3A_335 : vector<256x1xf32> to vector<256x2048xf32>
    %eq3A_337 = arith.cmpf oeq, %select_n3A_332, %eq3A_336 : vector<256x2048xf32>
    %jit3A_338 = arith.constant 2048 : i32
    %broadcast_in_dim3A_339 = vector.broadcast %jit3A_338 : i32 to vector<256x2048xi32>
    %select_n3A_340 = arith.select %eq3A_337, %iota3A, %broadcast_in_dim3A_339 : vector<256x2048xi1>, vector<256x2048xi32>
    %reduce_min3A_341 = arith.constant dense<2147483647> : vector<256xi32>
    %reduce_min3A_342 = vector.multi_reduction <minsi>, %select_n3A_340, %reduce_min3A_341 [1] : vector<256x2048xi32> to vector<256xi32>
    %broadcast_in_dim3A_343 = vector.shape_cast %reduce_min3A_342 : vector<256xi32> to vector<256x1xi32>
    %swap3A_344 = arith.constant 0 : index
    %swap3A_345 = arith.constant 0 : index
    %swap3A_346 = arith.constant 14 : index
    %swap3A_347 = vector.load %arg4[%swap3A_344, %swap3A_345, %swap3A_346] : memref<1x256x32xi32, #tpu.memory_space<vmem>>, vector<1x256x1xi32>
    %swap3A_348 = vector.shape_cast %swap3A_347 : vector<1x256x1xi32> to vector<256x1xi32>
    %swap3A_349 = vector.shape_cast %broadcast_in_dim3A_343 : vector<256x1xi32> to vector<1x256x1xi32>
    tpu.vector_store %arg4[%swap3A_344, %swap3A_345, %swap3A_346], %swap3A_349 {strides = array<i32>} : memref<1x256x32xi32, #tpu.memory_space<vmem>>, vector<1x256x1xi32>,
    %eq3A_350 = vector.broadcast %broadcast_in_dim3A_343 : vector<256x1xi32> to vector<256x2048xi32>
    %eq3A_351 = arith.cmpi eq, %iota3A, %eq3A_350 : vector<256x2048xi32>
    %jit3A_352 = arith.constant 0xFF800000 : f32
    %broadcast_in_dim3A_353 = vector.broadcast %jit3A_352 : f32 to vector<256x2048xf32>
    %select_n3A_354 = arith.select %eq3A_351, %broadcast_in_dim3A_353, %select_n3A_332 : vector<256x2048xi1>, vector<256x2048xf32>
    %reduce_max3A_355 = arith.constant dense<0xFF800000> : vector<256xf32>
    %reduce_max3A_356 = vector.multi_reduction <maximumf>, %select_n3A_354, %reduce_max3A_355 [1] : vector<256x2048xf32> to vector<256xf32>
    %broadcast_in_dim3A_357 = vector.shape_cast %reduce_max3A_356 : vector<256xf32> to vector<256x1xf32>
    %eq3A_358 = vector.broadcast %broadcast_in_dim3A_357 : vector<256x1xf32> to vector<256x2048xf32>
    %eq3A_359 = arith.cmpf oeq, %select_n3A_354, %eq3A_358 : vector<256x2048xf32>
    %jit3A_360 = arith.constant 2048 : i32
    %broadcast_in_dim3A_361 = vector.broadcast %jit3A_360 : i32 to vector<256x2048xi32>
    %select_n3A_362 = arith.select %eq3A_359, %iota3A, %broadcast_in_dim3A_361 : vector<256x2048xi1>, vector<256x2048xi32>
    %reduce_min3A_363 = arith.constant dense<2147483647> : vector<256xi32>
    %reduce_min3A_364 = vector.multi_reduction <minsi>, %select_n3A_362, %reduce_min3A_363 [1] : vector<256x2048xi32> to vector<256xi32>
    %broadcast_in_dim3A_365 = vector.shape_cast %reduce_min3A_364 : vector<256xi32> to vector<256x1xi32>
    %swap3A_366 = arith.constant 0 : index
    %swap3A_367 = arith.constant 0 : index
    %swap3A_368 = arith.constant 15 : index
    %swap3A_369 = vector.load %arg4[%swap3A_366, %swap3A_367, %swap3A_368] : memref<1x256x32xi32, #tpu.memory_space<vmem>>, vector<1x256x1xi32>
    %swap3A_370 = vector.shape_cast %swap3A_369 : vector<1x256x1xi32> to vector<256x1xi32>
    %swap3A_371 = vector.shape_cast %broadcast_in_dim3A_365 : vector<256x1xi32> to vector<1x256x1xi32>
    tpu.vector_store %arg4[%swap3A_366, %swap3A_367, %swap3A_368], %swap3A_371 {strides = array<i32>} : memref<1x256x32xi32, #tpu.memory_space<vmem>>, vector<1x256x1xi32>,
    %eq3A_372 = vector.broadcast %broadcast_in_dim3A_365 : vector<256x1xi32> to vector<256x2048xi32>
    %eq3A_373 = arith.cmpi eq, %iota3A, %eq3A_372 : vector<256x2048xi32>
    %jit3A_374 = arith.constant 0xFF800000 : f32
    %broadcast_in_dim3A_375 = vector.broadcast %jit3A_374 : f32 to vector<256x2048xf32>
    %select_n3A_376 = arith.select %eq3A_373, %broadcast_in_dim3A_375, %select_n3A_354 : vector<256x2048xi1>, vector<256x2048xf32>
    %reduce_max3A_377 = arith.constant dense<0xFF800000> : vector<256xf32>
    %reduce_max3A_378 = vector.multi_reduction <maximumf>, %select_n3A_376, %reduce_max3A_377 [1] : vector<256x2048xf32> to vector<256xf32>
    %broadcast_in_dim3A_379 = vector.shape_cast %reduce_max3A_378 : vector<256xf32> to vector<256x1xf32>
    %eq3A_380 = vector.broadcast %broadcast_in_dim3A_379 : vector<256x1xf32> to vector<256x2048xf32>
    %eq3A_381 = arith.cmpf oeq, %select_n3A_376, %eq3A_380 : vector<256x2048xf32>
    %jit3A_382 = arith.constant 2048 : i32
    %broadcast_in_dim3A_383 = vector.broadcast %jit3A_382 : i32 to vector<256x2048xi32>
    %select_n3A_384 = arith.select %eq3A_381, %iota3A, %broadcast_in_dim3A_383 : vector<256x2048xi1>, vector<256x2048xi32>
    %reduce_min3A_385 = arith.constant dense<2147483647> : vector<256xi32>
    %reduce_min3A_386 = vector.multi_reduction <minsi>, %select_n3A_384, %reduce_min3A_385 [1] : vector<256x2048xi32> to vector<256xi32>
    %broadcast_in_dim3A_387 = vector.shape_cast %reduce_min3A_386 : vector<256xi32> to vector<256x1xi32>
    %swap3A_388 = arith.constant 0 : index
    %swap3A_389 = arith.constant 0 : index
    %swap3A_390 = arith.constant 16 : index
    %swap3A_391 = vector.load %arg4[%swap3A_388, %swap3A_389, %swap3A_390] : memref<1x256x32xi32, #tpu.memory_space<vmem>>, vector<1x256x1xi32>
    %swap3A_392 = vector.shape_cast %swap3A_391 : vector<1x256x1xi32> to vector<256x1xi32>
    %swap3A_393 = vector.shape_cast %broadcast_in_dim3A_387 : vector<256x1xi32> to vector<1x256x1xi32>
    tpu.vector_store %arg4[%swap3A_388, %swap3A_389, %swap3A_390], %swap3A_393 {strides = array<i32>} : memref<1x256x32xi32, #tpu.memory_space<vmem>>, vector<1x256x1xi32>,
    %eq3A_394 = vector.broadcast %broadcast_in_dim3A_387 : vector<256x1xi32> to vector<256x2048xi32>
    %eq3A_395 = arith.cmpi eq, %iota3A, %eq3A_394 : vector<256x2048xi32>
    %jit3A_396 = arith.constant 0xFF800000 : f32
    %broadcast_in_dim3A_397 = vector.broadcast %jit3A_396 : f32 to vector<256x2048xf32>
    %select_n3A_398 = arith.select %eq3A_395, %broadcast_in_dim3A_397, %select_n3A_376 : vector<256x2048xi1>, vector<256x2048xf32>
    %reduce_max3A_399 = arith.constant dense<0xFF800000> : vector<256xf32>
    %reduce_max3A_400 = vector.multi_reduction <maximumf>, %select_n3A_398, %reduce_max3A_399 [1] : vector<256x2048xf32> to vector<256xf32>
    %broadcast_in_dim3A_401 = vector.shape_cast %reduce_max3A_400 : vector<256xf32> to vector<256x1xf32>
    %eq3A_402 = vector.broadcast %broadcast_in_dim3A_401 : vector<256x1xf32> to vector<256x2048xf32>
    %eq3A_403 = arith.cmpf oeq, %select_n3A_398, %eq3A_402 : vector<256x2048xf32>
    %jit3A_404 = arith.constant 2048 : i32
    %broadcast_in_dim3A_405 = vector.broadcast %jit3A_404 : i32 to vector<256x2048xi32>
    %select_n3A_406 = arith.select %eq3A_403, %iota3A, %broadcast_in_dim3A_405 : vector<256x2048xi1>, vector<256x2048xi32>
    %reduce_min3A_407 = arith.constant dense<2147483647> : vector<256xi32>
    %reduce_min3A_408 = vector.multi_reduction <minsi>, %select_n3A_406, %reduce_min3A_407 [1] : vector<256x2048xi32> to vector<256xi32>
    %broadcast_in_dim3A_409 = vector.shape_cast %reduce_min3A_408 : vector<256xi32> to vector<256x1xi32>
    %swap3A_410 = arith.constant 0 : index
    %swap3A_411 = arith.constant 0 : index
    %swap3A_412 = arith.constant 17 : index
    %swap3A_413 = vector.load %arg4[%swap3A_410, %swap3A_411, %swap3A_412] : memref<1x256x32xi32, #tpu.memory_space<vmem>>, vector<1x256x1xi32>
    %swap3A_414 = vector.shape_cast %swap3A_413 : vector<1x256x1xi32> to vector<256x1xi32>
    %swap3A_415 = vector.shape_cast %broadcast_in_dim3A_409 : vector<256x1xi32> to vector<1x256x1xi32>
    tpu.vector_store %arg4[%swap3A_410, %swap3A_411, %swap3A_412], %swap3A_415 {strides = array<i32>} : memref<1x256x32xi32, #tpu.memory_space<vmem>>, vector<1x256x1xi32>,
    %eq3A_416 = vector.broadcast %broadcast_in_dim3A_409 : vector<256x1xi32> to vector<256x2048xi32>
    %eq3A_417 = arith.cmpi eq, %iota3A, %eq3A_416 : vector<256x2048xi32>
    %jit3A_418 = arith.constant 0xFF800000 : f32
    %broadcast_in_dim3A_419 = vector.broadcast %jit3A_418 : f32 to vector<256x2048xf32>
    %select_n3A_420 = arith.select %eq3A_417, %broadcast_in_dim3A_419, %select_n3A_398 : vector<256x2048xi1>, vector<256x2048xf32>
    %reduce_max3A_421 = arith.constant dense<0xFF800000> : vector<256xf32>
    %reduce_max3A_422 = vector.multi_reduction <maximumf>, %select_n3A_420, %reduce_max3A_421 [1] : vector<256x2048xf32> to vector<256xf32>
    %broadcast_in_dim3A_423 = vector.shape_cast %reduce_max3A_422 : vector<256xf32> to vector<256x1xf32>
    %eq3A_424 = vector.broadcast %broadcast_in_dim3A_423 : vector<256x1xf32> to vector<256x2048xf32>
    %eq3A_425 = arith.cmpf oeq, %select_n3A_420, %eq3A_424 : vector<256x2048xf32>
    %jit3A_426 = arith.constant 2048 : i32
    %broadcast_in_dim3A_427 = vector.broadcast %jit3A_426 : i32 to vector<256x2048xi32>
    %select_n3A_428 = arith.select %eq3A_425, %iota3A, %broadcast_in_dim3A_427 : vector<256x2048xi1>, vector<256x2048xi32>
    %reduce_min3A_429 = arith.constant dense<2147483647> : vector<256xi32>
    %reduce_min3A_430 = vector.multi_reduction <minsi>, %select_n3A_428, %reduce_min3A_429 [1] : vector<256x2048xi32> to vector<256xi32>
    %broadcast_in_dim3A_431 = vector.shape_cast %reduce_min3A_430 : vector<256xi32> to vector<256x1xi32>
    %swap3A_432 = arith.constant 0 : index
    %swap3A_433 = arith.constant 0 : index
    %swap3A_434 = arith.constant 18 : index
    %swap3A_435 = vector.load %arg4[%swap3A_432, %swap3A_433, %swap3A_434] : memref<1x256x32xi32, #tpu.memory_space<vmem>>, vector<1x256x1xi32>
    %swap3A_436 = vector.shape_cast %swap3A_435 : vector<1x256x1xi32> to vector<256x1xi32>
    %swap3A_437 = vector.shape_cast %broadcast_in_dim3A_431 : vector<256x1xi32> to vector<1x256x1xi32>
    tpu.vector_store %arg4[%swap3A_432, %swap3A_433, %swap3A_434], %swap3A_437 {strides = array<i32>} : memref<1x256x32xi32, #tpu.memory_space<vmem>>, vector<1x256x1xi32>,
    %eq3A_438 = vector.broadcast %broadcast_in_dim3A_431 : vector<256x1xi32> to vector<256x2048xi32>
    %eq3A_439 = arith.cmpi eq, %iota3A, %eq3A_438 : vector<256x2048xi32>
    %jit3A_440 = arith.constant 0xFF800000 : f32
    %broadcast_in_dim3A_441 = vector.broadcast %jit3A_440 : f32 to vector<256x2048xf32>
    %select_n3A_442 = arith.select %eq3A_439, %broadcast_in_dim3A_441, %select_n3A_420 : vector<256x2048xi1>, vector<256x2048xf32>
    %reduce_max3A_443 = arith.constant dense<0xFF800000> : vector<256xf32>
    %reduce_max3A_444 = vector.multi_reduction <maximumf>, %select_n3A_442, %reduce_max3A_443 [1] : vector<256x2048xf32> to vector<256xf32>
    %broadcast_in_dim3A_445 = vector.shape_cast %reduce_max3A_444 : vector<256xf32> to vector<256x1xf32>
    %eq3A_446 = vector.broadcast %broadcast_in_dim3A_445 : vector<256x1xf32> to vector<256x2048xf32>
    %eq3A_447 = arith.cmpf oeq, %select_n3A_442, %eq3A_446 : vector<256x2048xf32>
    %jit3A_448 = arith.constant 2048 : i32
    %broadcast_in_dim3A_449 = vector.broadcast %jit3A_448 : i32 to vector<256x2048xi32>
    %select_n3A_450 = arith.select %eq3A_447, %iota3A, %broadcast_in_dim3A_449 : vector<256x2048xi1>, vector<256x2048xi32>
    %reduce_min3A_451 = arith.constant dense<2147483647> : vector<256xi32>
    %reduce_min3A_452 = vector.multi_reduction <minsi>, %select_n3A_450, %reduce_min3A_451 [1] : vector<256x2048xi32> to vector<256xi32>
    %broadcast_in_dim3A_453 = vector.shape_cast %reduce_min3A_452 : vector<256xi32> to vector<256x1xi32>
    %swap3A_454 = arith.constant 0 : index
    %swap3A_455 = arith.constant 0 : index
    %swap3A_456 = arith.constant 19 : index
    %swap3A_457 = vector.load %arg4[%swap3A_454, %swap3A_455, %swap3A_456] : memref<1x256x32xi32, #tpu.memory_space<vmem>>, vector<1x256x1xi32>
    %swap3A_458 = vector.shape_cast %swap3A_457 : vector<1x256x1xi32> to vector<256x1xi32>
    %swap3A_459 = vector.shape_cast %broadcast_in_dim3A_453 : vector<256x1xi32> to vector<1x256x1xi32>
    tpu.vector_store %arg4[%swap3A_454, %swap3A_455, %swap3A_456], %swap3A_459 {strides = array<i32>} : memref<1x256x32xi32, #tpu.memory_space<vmem>>, vector<1x256x1xi32>,
    return
  }
  func.func @transform_0(%arg0: i32, %arg1: i32) -> (i32, i32, i32) {
    %c0_i32 = arith.constant 0 : i32
    %c0_i32_0 = arith.constant 0 : i32
    %c0_i32_1 = arith.constant 0 : i32
    return %arg0, %c0_i32, %c0_i32_0 : i32, i32, i32
  }
  func.func @transform_1(%arg0: i32, %arg1: i32) -> (i32, i32, i32) {
    %c0_i32 = arith.constant 0 : i32
    %c0_i32_0 = arith.constant 0 : i32
    %c0_i32_1 = arith.constant 0 : i32
    return %arg0, %c0_i32, %c0_i32_0 : i32, i32, i32
  }
  func.func @transform_2(%arg0: i32, %arg1: i32) -> (i32, i32, i32) {
    %c0_i32 = arith.constant 0 : i32
    %c0_i32_0 = arith.constant 0 : i32
    return %arg0, %arg1, %c0_i32 : i32, i32, i32
  }
}

module attributes {stable_mosaic.version = 14 : i64} {
  func.func @_conv_kernel(%arg0: i32, %arg1: i32, %arg2: memref<1x20x128x256xf32, #tpu.memory_space<vmem>>, %arg3: memref<1x128x256xf32, #tpu.memory_space<vmem>>, %arg4: memref<256x256xf32, #tpu.memory_space<vmem>>, %arg5: memref<1x256x256xf32, #tpu.memory_space<vmem>>, %arg6: memref<1x1x256x1xf32, #tpu.memory_space<vmem>>, %arg7: memref<1x1x256x1xf32, #tpu.memory_space<vmem>>) attributes {dimension_semantics = [#tpu.dimension_semantics<arbitrary>, #tpu.dimension_semantics<arbitrary>], iteration_bounds = array<i64: 8, 8>, scalar_prefetch = 0 : i64, scratch_operands = 0 : i64, tpu.core_type = #tpu.core_type<tc>, window_params = [{transform_indices = @transform_0, window_bounds = array<i64: 1, 20, 128, 256>}, {transform_indices = @transform_1, window_bounds = array<i64: 1, 128, 256>}, {pipeline_mode = #tpu.pipeline_mode<synchronous>, transform_indices = @transform_2, window_bounds = array<i64: 256, 256>}, {transform_indices = @transform_3, window_bounds = array<i64: 1, 256, 256>}, {transform_indices = @transform_4, window_bounds = array<i64: 1, 1, 256, 1>}, {transform_indices = @transform_5, window_bounds = array<i64: 1, 1, 256, 1>}]} {
    %get3A = arith.constant 0 : index
    %get3A_0 = arith.constant 0 : index
    %get3A_1 = arith.constant 0 : index
    %get3A_2 = vector.load %arg3[%get3A, %get3A_0, %get3A_1] : memref<1x128x256xf32, #tpu.memory_space<vmem>>, vector<1x128x256xf32>
    %get3A_3 = vector.shape_cast %get3A_2 : vector<1x128x256xf32> to vector<128x256xf32>
    %convert_element_type3A = arith.truncf %get3A_3 : vector<128x256xf32> to vector<128x256xbf16>
    %get3A_4 = arith.constant 0 : index
    %get3A_5 = arith.constant 0 : index
    %get3A_6 = vector.load %arg4[%get3A_4, %get3A_5] : memref<256x256xf32, #tpu.memory_space<vmem>>, vector<256x256xf32>
    %convert_element_type3A_7 = arith.truncf %get3A_6 : vector<256x256xf32> to vector<256x256xbf16>
    %get3A_8 = arith.constant 0 : index
    %get3A_9 = arith.constant 0 : index
    %get3A_10 = arith.constant 0 : index
    %get3A_11 = arith.constant 0 : index
    %get3A_12 = vector.load %arg2[%get3A_8, %get3A_9, %get3A_10, %get3A_11] : memref<1x20x128x256xf32, #tpu.memory_space<vmem>>, vector<1x1x128x256xf32>
    %get3A_13 = vector.shape_cast %get3A_12 : vector<1x1x128x256xf32> to vector<128x256xf32>
    %sub3A = arith.subf %get3A_13, %get3A_3 : vector<128x256xf32>
    %convert_element_type3A_14 = arith.truncf %sub3A : vector<128x256xf32> to vector<128x256xbf16>
    %concatenate3A = tpu.concatenate %convert_element_type3A_14, %convert_element_type3A in 0 : vector<128x256xbf16>, vector<128x256xbf16> -> vector<256x256xbf16>
    %dot_general3A = arith.constant dense<0.000000e+00> : vector<256x256xf32>
    %dot_general3A_15 = tpu.matmul %convert_element_type3A_7, %concatenate3A, %dot_general3A {dimension_numbers = #tpu.dot_dimension_numbers<[1], [0], [0], [1], [0, 0, 1, 1], [], []>, transpose_lhs_hint = false} : vector<256x256xbf16>, vector<256x256xbf16>, vector<256x256xf32> -> vector<256x256xf32>
    %get3A_16 = arith.constant 0 : index
    %get3A_17 = arith.constant 1 : index
    %get3A_18 = arith.constant 0 : index
    %get3A_19 = arith.constant 0 : index
    %get3A_20 = vector.load %arg2[%get3A_16, %get3A_17, %get3A_18, %get3A_19] : memref<1x20x128x256xf32, #tpu.memory_space<vmem>>, vector<1x1x128x256xf32>
    %get3A_21 = vector.shape_cast %get3A_20 : vector<1x1x128x256xf32> to vector<128x256xf32>
    %sub3A_22 = arith.subf %get3A_21, %get3A_3 : vector<128x256xf32>
    %convert_element_type3A_23 = arith.truncf %sub3A_22 : vector<128x256xf32> to vector<128x256xbf16>
    %concatenate3A_24 = tpu.concatenate %convert_element_type3A_23, %convert_element_type3A in 0 : vector<128x256xbf16>, vector<128x256xbf16> -> vector<256x256xbf16>
    %dot_general3A_25 = arith.constant dense<0.000000e+00> : vector<256x256xf32>
    %dot_general3A_26 = tpu.matmul %convert_element_type3A_7, %concatenate3A_24, %dot_general3A_25 {dimension_numbers = #tpu.dot_dimension_numbers<[1], [0], [0], [1], [0, 0, 1, 1], [], []>, transpose_lhs_hint = false} : vector<256x256xbf16>, vector<256x256xbf16>, vector<256x256xf32> -> vector<256x256xf32>
    %max3A = arith.maximumf %dot_general3A_15, %dot_general3A_26 : vector<256x256xf32>
    %get3A_27 = arith.constant 0 : index
    %get3A_28 = arith.constant 2 : index
    %get3A_29 = arith.constant 0 : index
    %get3A_30 = arith.constant 0 : index
    %get3A_31 = vector.load %arg2[%get3A_27, %get3A_28, %get3A_29, %get3A_30] : memref<1x20x128x256xf32, #tpu.memory_space<vmem>>, vector<1x1x128x256xf32>
    %get3A_32 = vector.shape_cast %get3A_31 : vector<1x1x128x256xf32> to vector<128x256xf32>
    %sub3A_33 = arith.subf %get3A_32, %get3A_3 : vector<128x256xf32>
    %convert_element_type3A_34 = arith.truncf %sub3A_33 : vector<128x256xf32> to vector<128x256xbf16>
    %concatenate3A_35 = tpu.concatenate %convert_element_type3A_34, %convert_element_type3A in 0 : vector<128x256xbf16>, vector<128x256xbf16> -> vector<256x256xbf16>
    %dot_general3A_36 = arith.constant dense<0.000000e+00> : vector<256x256xf32>
    %dot_general3A_37 = tpu.matmul %convert_element_type3A_7, %concatenate3A_35, %dot_general3A_36 {dimension_numbers = #tpu.dot_dimension_numbers<[1], [0], [0], [1], [0, 0, 1, 1], [], []>, transpose_lhs_hint = false} : vector<256x256xbf16>, vector<256x256xbf16>, vector<256x256xf32> -> vector<256x256xf32>
    %max3A_38 = arith.maximumf %max3A, %dot_general3A_37 : vector<256x256xf32>
    %get3A_39 = arith.constant 0 : index
    %get3A_40 = arith.constant 3 : index
    %get3A_41 = arith.constant 0 : index
    %get3A_42 = arith.constant 0 : index
    %get3A_43 = vector.load %arg2[%get3A_39, %get3A_40, %get3A_41, %get3A_42] : memref<1x20x128x256xf32, #tpu.memory_space<vmem>>, vector<1x1x128x256xf32>
    %get3A_44 = vector.shape_cast %get3A_43 : vector<1x1x128x256xf32> to vector<128x256xf32>
    %sub3A_45 = arith.subf %get3A_44, %get3A_3 : vector<128x256xf32>
    %convert_element_type3A_46 = arith.truncf %sub3A_45 : vector<128x256xf32> to vector<128x256xbf16>
    %concatenate3A_47 = tpu.concatenate %convert_element_type3A_46, %convert_element_type3A in 0 : vector<128x256xbf16>, vector<128x256xbf16> -> vector<256x256xbf16>
    %dot_general3A_48 = arith.constant dense<0.000000e+00> : vector<256x256xf32>
    %dot_general3A_49 = tpu.matmul %convert_element_type3A_7, %concatenate3A_47, %dot_general3A_48 {dimension_numbers = #tpu.dot_dimension_numbers<[1], [0], [0], [1], [0, 0, 1, 1], [], []>, transpose_lhs_hint = false} : vector<256x256xbf16>, vector<256x256xbf16>, vector<256x256xf32> -> vector<256x256xf32>
    %max3A_50 = arith.maximumf %max3A_38, %dot_general3A_49 : vector<256x256xf32>
    %get3A_51 = arith.constant 0 : index
    %get3A_52 = arith.constant 4 : index
    %get3A_53 = arith.constant 0 : index
    %get3A_54 = arith.constant 0 : index
    %get3A_55 = vector.load %arg2[%get3A_51, %get3A_52, %get3A_53, %get3A_54] : memref<1x20x128x256xf32, #tpu.memory_space<vmem>>, vector<1x1x128x256xf32>
    %get3A_56 = vector.shape_cast %get3A_55 : vector<1x1x128x256xf32> to vector<128x256xf32>
    %sub3A_57 = arith.subf %get3A_56, %get3A_3 : vector<128x256xf32>
    %convert_element_type3A_58 = arith.truncf %sub3A_57 : vector<128x256xf32> to vector<128x256xbf16>
    %concatenate3A_59 = tpu.concatenate %convert_element_type3A_58, %convert_element_type3A in 0 : vector<128x256xbf16>, vector<128x256xbf16> -> vector<256x256xbf16>
    %dot_general3A_60 = arith.constant dense<0.000000e+00> : vector<256x256xf32>
    %dot_general3A_61 = tpu.matmul %convert_element_type3A_7, %concatenate3A_59, %dot_general3A_60 {dimension_numbers = #tpu.dot_dimension_numbers<[1], [0], [0], [1], [0, 0, 1, 1], [], []>, transpose_lhs_hint = false} : vector<256x256xbf16>, vector<256x256xbf16>, vector<256x256xf32> -> vector<256x256xf32>
    %max3A_62 = arith.maximumf %max3A_50, %dot_general3A_61 : vector<256x256xf32>
    %get3A_63 = arith.constant 0 : index
    %get3A_64 = arith.constant 5 : index
    %get3A_65 = arith.constant 0 : index
    %get3A_66 = arith.constant 0 : index
    %get3A_67 = vector.load %arg2[%get3A_63, %get3A_64, %get3A_65, %get3A_66] : memref<1x20x128x256xf32, #tpu.memory_space<vmem>>, vector<1x1x128x256xf32>
    %get3A_68 = vector.shape_cast %get3A_67 : vector<1x1x128x256xf32> to vector<128x256xf32>
    %sub3A_69 = arith.subf %get3A_68, %get3A_3 : vector<128x256xf32>
    %convert_element_type3A_70 = arith.truncf %sub3A_69 : vector<128x256xf32> to vector<128x256xbf16>
    %concatenate3A_71 = tpu.concatenate %convert_element_type3A_70, %convert_element_type3A in 0 : vector<128x256xbf16>, vector<128x256xbf16> -> vector<256x256xbf16>
    %dot_general3A_72 = arith.constant dense<0.000000e+00> : vector<256x256xf32>
    %dot_general3A_73 = tpu.matmul %convert_element_type3A_7, %concatenate3A_71, %dot_general3A_72 {dimension_numbers = #tpu.dot_dimension_numbers<[1], [0], [0], [1], [0, 0, 1, 1], [], []>, transpose_lhs_hint = false} : vector<256x256xbf16>, vector<256x256xbf16>, vector<256x256xf32> -> vector<256x256xf32>
    %max3A_74 = arith.maximumf %max3A_62, %dot_general3A_73 : vector<256x256xf32>
    %get3A_75 = arith.constant 0 : index
    %get3A_76 = arith.constant 6 : index
    %get3A_77 = arith.constant 0 : index
    %get3A_78 = arith.constant 0 : index
    %get3A_79 = vector.load %arg2[%get3A_75, %get3A_76, %get3A_77, %get3A_78] : memref<1x20x128x256xf32, #tpu.memory_space<vmem>>, vector<1x1x128x256xf32>
    %get3A_80 = vector.shape_cast %get3A_79 : vector<1x1x128x256xf32> to vector<128x256xf32>
    %sub3A_81 = arith.subf %get3A_80, %get3A_3 : vector<128x256xf32>
    %convert_element_type3A_82 = arith.truncf %sub3A_81 : vector<128x256xf32> to vector<128x256xbf16>
    %concatenate3A_83 = tpu.concatenate %convert_element_type3A_82, %convert_element_type3A in 0 : vector<128x256xbf16>, vector<128x256xbf16> -> vector<256x256xbf16>
    %dot_general3A_84 = arith.constant dense<0.000000e+00> : vector<256x256xf32>
    %dot_general3A_85 = tpu.matmul %convert_element_type3A_7, %concatenate3A_83, %dot_general3A_84 {dimension_numbers = #tpu.dot_dimension_numbers<[1], [0], [0], [1], [0, 0, 1, 1], [], []>, transpose_lhs_hint = false} : vector<256x256xbf16>, vector<256x256xbf16>, vector<256x256xf32> -> vector<256x256xf32>
    %max3A_86 = arith.maximumf %max3A_74, %dot_general3A_85 : vector<256x256xf32>
    %get3A_87 = arith.constant 0 : index
    %get3A_88 = arith.constant 7 : index
    %get3A_89 = arith.constant 0 : index
    %get3A_90 = arith.constant 0 : index
    %get3A_91 = vector.load %arg2[%get3A_87, %get3A_88, %get3A_89, %get3A_90] : memref<1x20x128x256xf32, #tpu.memory_space<vmem>>, vector<1x1x128x256xf32>
    %get3A_92 = vector.shape_cast %get3A_91 : vector<1x1x128x256xf32> to vector<128x256xf32>
    %sub3A_93 = arith.subf %get3A_92, %get3A_3 : vector<128x256xf32>
    %convert_element_type3A_94 = arith.truncf %sub3A_93 : vector<128x256xf32> to vector<128x256xbf16>
    %concatenate3A_95 = tpu.concatenate %convert_element_type3A_94, %convert_element_type3A in 0 : vector<128x256xbf16>, vector<128x256xbf16> -> vector<256x256xbf16>
    %dot_general3A_96 = arith.constant dense<0.000000e+00> : vector<256x256xf32>
    %dot_general3A_97 = tpu.matmul %convert_element_type3A_7, %concatenate3A_95, %dot_general3A_96 {dimension_numbers = #tpu.dot_dimension_numbers<[1], [0], [0], [1], [0, 0, 1, 1], [], []>, transpose_lhs_hint = false} : vector<256x256xbf16>, vector<256x256xbf16>, vector<256x256xf32> -> vector<256x256xf32>
    %max3A_98 = arith.maximumf %max3A_86, %dot_general3A_97 : vector<256x256xf32>
    %get3A_99 = arith.constant 0 : index
    %get3A_100 = arith.constant 8 : index
    %get3A_101 = arith.constant 0 : index
    %get3A_102 = arith.constant 0 : index
    %get3A_103 = vector.load %arg2[%get3A_99, %get3A_100, %get3A_101, %get3A_102] : memref<1x20x128x256xf32, #tpu.memory_space<vmem>>, vector<1x1x128x256xf32>
    %get3A_104 = vector.shape_cast %get3A_103 : vector<1x1x128x256xf32> to vector<128x256xf32>
    %sub3A_105 = arith.subf %get3A_104, %get3A_3 : vector<128x256xf32>
    %convert_element_type3A_106 = arith.truncf %sub3A_105 : vector<128x256xf32> to vector<128x256xbf16>
    %concatenate3A_107 = tpu.concatenate %convert_element_type3A_106, %convert_element_type3A in 0 : vector<128x256xbf16>, vector<128x256xbf16> -> vector<256x256xbf16>
    %dot_general3A_108 = arith.constant dense<0.000000e+00> : vector<256x256xf32>
    %dot_general3A_109 = tpu.matmul %convert_element_type3A_7, %concatenate3A_107, %dot_general3A_108 {dimension_numbers = #tpu.dot_dimension_numbers<[1], [0], [0], [1], [0, 0, 1, 1], [], []>, transpose_lhs_hint = false} : vector<256x256xbf16>, vector<256x256xbf16>, vector<256x256xf32> -> vector<256x256xf32>
    %max3A_110 = arith.maximumf %max3A_98, %dot_general3A_109 : vector<256x256xf32>
    %get3A_111 = arith.constant 0 : index
    %get3A_112 = arith.constant 9 : index
    %get3A_113 = arith.constant 0 : index
    %get3A_114 = arith.constant 0 : index
    %get3A_115 = vector.load %arg2[%get3A_111, %get3A_112, %get3A_113, %get3A_114] : memref<1x20x128x256xf32, #tpu.memory_space<vmem>>, vector<1x1x128x256xf32>
    %get3A_116 = vector.shape_cast %get3A_115 : vector<1x1x128x256xf32> to vector<128x256xf32>
    %sub3A_117 = arith.subf %get3A_116, %get3A_3 : vector<128x256xf32>
    %convert_element_type3A_118 = arith.truncf %sub3A_117 : vector<128x256xf32> to vector<128x256xbf16>
    %concatenate3A_119 = tpu.concatenate %convert_element_type3A_118, %convert_element_type3A in 0 : vector<128x256xbf16>, vector<128x256xbf16> -> vector<256x256xbf16>
    %dot_general3A_120 = arith.constant dense<0.000000e+00> : vector<256x256xf32>
    %dot_general3A_121 = tpu.matmul %convert_element_type3A_7, %concatenate3A_119, %dot_general3A_120 {dimension_numbers = #tpu.dot_dimension_numbers<[1], [0], [0], [1], [0, 0, 1, 1], [], []>, transpose_lhs_hint = false} : vector<256x256xbf16>, vector<256x256xbf16>, vector<256x256xf32> -> vector<256x256xf32>
    %max3A_122 = arith.maximumf %max3A_110, %dot_general3A_121 : vector<256x256xf32>
    %get3A_123 = arith.constant 0 : index
    %get3A_124 = arith.constant 10 : index
    %get3A_125 = arith.constant 0 : index
    %get3A_126 = arith.constant 0 : index
    %get3A_127 = vector.load %arg2[%get3A_123, %get3A_124, %get3A_125, %get3A_126] : memref<1x20x128x256xf32, #tpu.memory_space<vmem>>, vector<1x1x128x256xf32>
    %get3A_128 = vector.shape_cast %get3A_127 : vector<1x1x128x256xf32> to vector<128x256xf32>
    %sub3A_129 = arith.subf %get3A_128, %get3A_3 : vector<128x256xf32>
    %convert_element_type3A_130 = arith.truncf %sub3A_129 : vector<128x256xf32> to vector<128x256xbf16>
    %concatenate3A_131 = tpu.concatenate %convert_element_type3A_130, %convert_element_type3A in 0 : vector<128x256xbf16>, vector<128x256xbf16> -> vector<256x256xbf16>
    %dot_general3A_132 = arith.constant dense<0.000000e+00> : vector<256x256xf32>
    %dot_general3A_133 = tpu.matmul %convert_element_type3A_7, %concatenate3A_131, %dot_general3A_132 {dimension_numbers = #tpu.dot_dimension_numbers<[1], [0], [0], [1], [0, 0, 1, 1], [], []>, transpose_lhs_hint = false} : vector<256x256xbf16>, vector<256x256xbf16>, vector<256x256xf32> -> vector<256x256xf32>
    %max3A_134 = arith.maximumf %max3A_122, %dot_general3A_133 : vector<256x256xf32>
    %get3A_135 = arith.constant 0 : index
    %get3A_136 = arith.constant 11 : index
    %get3A_137 = arith.constant 0 : index
    %get3A_138 = arith.constant 0 : index
    %get3A_139 = vector.load %arg2[%get3A_135, %get3A_136, %get3A_137, %get3A_138] : memref<1x20x128x256xf32, #tpu.memory_space<vmem>>, vector<1x1x128x256xf32>
    %get3A_140 = vector.shape_cast %get3A_139 : vector<1x1x128x256xf32> to vector<128x256xf32>
    %sub3A_141 = arith.subf %get3A_140, %get3A_3 : vector<128x256xf32>
    %convert_element_type3A_142 = arith.truncf %sub3A_141 : vector<128x256xf32> to vector<128x256xbf16>
    %concatenate3A_143 = tpu.concatenate %convert_element_type3A_142, %convert_element_type3A in 0 : vector<128x256xbf16>, vector<128x256xbf16> -> vector<256x256xbf16>
    %dot_general3A_144 = arith.constant dense<0.000000e+00> : vector<256x256xf32>
    %dot_general3A_145 = tpu.matmul %convert_element_type3A_7, %concatenate3A_143, %dot_general3A_144 {dimension_numbers = #tpu.dot_dimension_numbers<[1], [0], [0], [1], [0, 0, 1, 1], [], []>, transpose_lhs_hint = false} : vector<256x256xbf16>, vector<256x256xbf16>, vector<256x256xf32> -> vector<256x256xf32>
    %max3A_146 = arith.maximumf %max3A_134, %dot_general3A_145 : vector<256x256xf32>
    %get3A_147 = arith.constant 0 : index
    %get3A_148 = arith.constant 12 : index
    %get3A_149 = arith.constant 0 : index
    %get3A_150 = arith.constant 0 : index
    %get3A_151 = vector.load %arg2[%get3A_147, %get3A_148, %get3A_149, %get3A_150] : memref<1x20x128x256xf32, #tpu.memory_space<vmem>>, vector<1x1x128x256xf32>
    %get3A_152 = vector.shape_cast %get3A_151 : vector<1x1x128x256xf32> to vector<128x256xf32>
    %sub3A_153 = arith.subf %get3A_152, %get3A_3 : vector<128x256xf32>
    %convert_element_type3A_154 = arith.truncf %sub3A_153 : vector<128x256xf32> to vector<128x256xbf16>
    %concatenate3A_155 = tpu.concatenate %convert_element_type3A_154, %convert_element_type3A in 0 : vector<128x256xbf16>, vector<128x256xbf16> -> vector<256x256xbf16>
    %dot_general3A_156 = arith.constant dense<0.000000e+00> : vector<256x256xf32>
    %dot_general3A_157 = tpu.matmul %convert_element_type3A_7, %concatenate3A_155, %dot_general3A_156 {dimension_numbers = #tpu.dot_dimension_numbers<[1], [0], [0], [1], [0, 0, 1, 1], [], []>, transpose_lhs_hint = false} : vector<256x256xbf16>, vector<256x256xbf16>, vector<256x256xf32> -> vector<256x256xf32>
    %max3A_158 = arith.maximumf %max3A_146, %dot_general3A_157 : vector<256x256xf32>
    %get3A_159 = arith.constant 0 : index
    %get3A_160 = arith.constant 13 : index
    %get3A_161 = arith.constant 0 : index
    %get3A_162 = arith.constant 0 : index
    %get3A_163 = vector.load %arg2[%get3A_159, %get3A_160, %get3A_161, %get3A_162] : memref<1x20x128x256xf32, #tpu.memory_space<vmem>>, vector<1x1x128x256xf32>
    %get3A_164 = vector.shape_cast %get3A_163 : vector<1x1x128x256xf32> to vector<128x256xf32>
    %sub3A_165 = arith.subf %get3A_164, %get3A_3 : vector<128x256xf32>
    %convert_element_type3A_166 = arith.truncf %sub3A_165 : vector<128x256xf32> to vector<128x256xbf16>
    %concatenate3A_167 = tpu.concatenate %convert_element_type3A_166, %convert_element_type3A in 0 : vector<128x256xbf16>, vector<128x256xbf16> -> vector<256x256xbf16>
    %dot_general3A_168 = arith.constant dense<0.000000e+00> : vector<256x256xf32>
    %dot_general3A_169 = tpu.matmul %convert_element_type3A_7, %concatenate3A_167, %dot_general3A_168 {dimension_numbers = #tpu.dot_dimension_numbers<[1], [0], [0], [1], [0, 0, 1, 1], [], []>, transpose_lhs_hint = false} : vector<256x256xbf16>, vector<256x256xbf16>, vector<256x256xf32> -> vector<256x256xf32>
    %max3A_170 = arith.maximumf %max3A_158, %dot_general3A_169 : vector<256x256xf32>
    %get3A_171 = arith.constant 0 : index
    %get3A_172 = arith.constant 14 : index
    %get3A_173 = arith.constant 0 : index
    %get3A_174 = arith.constant 0 : index
    %get3A_175 = vector.load %arg2[%get3A_171, %get3A_172, %get3A_173, %get3A_174] : memref<1x20x128x256xf32, #tpu.memory_space<vmem>>, vector<1x1x128x256xf32>
    %get3A_176 = vector.shape_cast %get3A_175 : vector<1x1x128x256xf32> to vector<128x256xf32>
    %sub3A_177 = arith.subf %get3A_176, %get3A_3 : vector<128x256xf32>
    %convert_element_type3A_178 = arith.truncf %sub3A_177 : vector<128x256xf32> to vector<128x256xbf16>
    %concatenate3A_179 = tpu.concatenate %convert_element_type3A_178, %convert_element_type3A in 0 : vector<128x256xbf16>, vector<128x256xbf16> -> vector<256x256xbf16>
    %dot_general3A_180 = arith.constant dense<0.000000e+00> : vector<256x256xf32>
    %dot_general3A_181 = tpu.matmul %convert_element_type3A_7, %concatenate3A_179, %dot_general3A_180 {dimension_numbers = #tpu.dot_dimension_numbers<[1], [0], [0], [1], [0, 0, 1, 1], [], []>, transpose_lhs_hint = false} : vector<256x256xbf16>, vector<256x256xbf16>, vector<256x256xf32> -> vector<256x256xf32>
    %max3A_182 = arith.maximumf %max3A_170, %dot_general3A_181 : vector<256x256xf32>
    %get3A_183 = arith.constant 0 : index
    %get3A_184 = arith.constant 15 : index
    %get3A_185 = arith.constant 0 : index
    %get3A_186 = arith.constant 0 : index
    %get3A_187 = vector.load %arg2[%get3A_183, %get3A_184, %get3A_185, %get3A_186] : memref<1x20x128x256xf32, #tpu.memory_space<vmem>>, vector<1x1x128x256xf32>
    %get3A_188 = vector.shape_cast %get3A_187 : vector<1x1x128x256xf32> to vector<128x256xf32>
    %sub3A_189 = arith.subf %get3A_188, %get3A_3 : vector<128x256xf32>
    %convert_element_type3A_190 = arith.truncf %sub3A_189 : vector<128x256xf32> to vector<128x256xbf16>
    %concatenate3A_191 = tpu.concatenate %convert_element_type3A_190, %convert_element_type3A in 0 : vector<128x256xbf16>, vector<128x256xbf16> -> vector<256x256xbf16>
    %dot_general3A_192 = arith.constant dense<0.000000e+00> : vector<256x256xf32>
    %dot_general3A_193 = tpu.matmul %convert_element_type3A_7, %concatenate3A_191, %dot_general3A_192 {dimension_numbers = #tpu.dot_dimension_numbers<[1], [0], [0], [1], [0, 0, 1, 1], [], []>, transpose_lhs_hint = false} : vector<256x256xbf16>, vector<256x256xbf16>, vector<256x256xf32> -> vector<256x256xf32>
    %max3A_194 = arith.maximumf %max3A_182, %dot_general3A_193 : vector<256x256xf32>
    %get3A_195 = arith.constant 0 : index
    %get3A_196 = arith.constant 16 : index
    %get3A_197 = arith.constant 0 : index
    %get3A_198 = arith.constant 0 : index
    %get3A_199 = vector.load %arg2[%get3A_195, %get3A_196, %get3A_197, %get3A_198] : memref<1x20x128x256xf32, #tpu.memory_space<vmem>>, vector<1x1x128x256xf32>
    %get3A_200 = vector.shape_cast %get3A_199 : vector<1x1x128x256xf32> to vector<128x256xf32>
    %sub3A_201 = arith.subf %get3A_200, %get3A_3 : vector<128x256xf32>
    %convert_element_type3A_202 = arith.truncf %sub3A_201 : vector<128x256xf32> to vector<128x256xbf16>
    %concatenate3A_203 = tpu.concatenate %convert_element_type3A_202, %convert_element_type3A in 0 : vector<128x256xbf16>, vector<128x256xbf16> -> vector<256x256xbf16>
    %dot_general3A_204 = arith.constant dense<0.000000e+00> : vector<256x256xf32>
    %dot_general3A_205 = tpu.matmul %convert_element_type3A_7, %concatenate3A_203, %dot_general3A_204 {dimension_numbers = #tpu.dot_dimension_numbers<[1], [0], [0], [1], [0, 0, 1, 1], [], []>, transpose_lhs_hint = false} : vector<256x256xbf16>, vector<256x256xbf16>, vector<256x256xf32> -> vector<256x256xf32>
    %max3A_206 = arith.maximumf %max3A_194, %dot_general3A_205 : vector<256x256xf32>
    %get3A_207 = arith.constant 0 : index
    %get3A_208 = arith.constant 17 : index
    %get3A_209 = arith.constant 0 : index
    %get3A_210 = arith.constant 0 : index
    %get3A_211 = vector.load %arg2[%get3A_207, %get3A_208, %get3A_209, %get3A_210] : memref<1x20x128x256xf32, #tpu.memory_space<vmem>>, vector<1x1x128x256xf32>
    %get3A_212 = vector.shape_cast %get3A_211 : vector<1x1x128x256xf32> to vector<128x256xf32>
    %sub3A_213 = arith.subf %get3A_212, %get3A_3 : vector<128x256xf32>
    %convert_element_type3A_214 = arith.truncf %sub3A_213 : vector<128x256xf32> to vector<128x256xbf16>
    %concatenate3A_215 = tpu.concatenate %convert_element_type3A_214, %convert_element_type3A in 0 : vector<128x256xbf16>, vector<128x256xbf16> -> vector<256x256xbf16>
    %dot_general3A_216 = arith.constant dense<0.000000e+00> : vector<256x256xf32>
    %dot_general3A_217 = tpu.matmul %convert_element_type3A_7, %concatenate3A_215, %dot_general3A_216 {dimension_numbers = #tpu.dot_dimension_numbers<[1], [0], [0], [1], [0, 0, 1, 1], [], []>, transpose_lhs_hint = false} : vector<256x256xbf16>, vector<256x256xbf16>, vector<256x256xf32> -> vector<256x256xf32>
    %max3A_218 = arith.maximumf %max3A_206, %dot_general3A_217 : vector<256x256xf32>
    %get3A_219 = arith.constant 0 : index
    %get3A_220 = arith.constant 18 : index
    %get3A_221 = arith.constant 0 : index
    %get3A_222 = arith.constant 0 : index
    %get3A_223 = vector.load %arg2[%get3A_219, %get3A_220, %get3A_221, %get3A_222] : memref<1x20x128x256xf32, #tpu.memory_space<vmem>>, vector<1x1x128x256xf32>
    %get3A_224 = vector.shape_cast %get3A_223 : vector<1x1x128x256xf32> to vector<128x256xf32>
    %sub3A_225 = arith.subf %get3A_224, %get3A_3 : vector<128x256xf32>
    %convert_element_type3A_226 = arith.truncf %sub3A_225 : vector<128x256xf32> to vector<128x256xbf16>
    %concatenate3A_227 = tpu.concatenate %convert_element_type3A_226, %convert_element_type3A in 0 : vector<128x256xbf16>, vector<128x256xbf16> -> vector<256x256xbf16>
    %dot_general3A_228 = arith.constant dense<0.000000e+00> : vector<256x256xf32>
    %dot_general3A_229 = tpu.matmul %convert_element_type3A_7, %concatenate3A_227, %dot_general3A_228 {dimension_numbers = #tpu.dot_dimension_numbers<[1], [0], [0], [1], [0, 0, 1, 1], [], []>, transpose_lhs_hint = false} : vector<256x256xbf16>, vector<256x256xbf16>, vector<256x256xf32> -> vector<256x256xf32>
    %max3A_230 = arith.maximumf %max3A_218, %dot_general3A_229 : vector<256x256xf32>
    %get3A_231 = arith.constant 0 : index
    %get3A_232 = arith.constant 19 : index
    %get3A_233 = arith.constant 0 : index
    %get3A_234 = arith.constant 0 : index
    %get3A_235 = vector.load %arg2[%get3A_231, %get3A_232, %get3A_233, %get3A_234] : memref<1x20x128x256xf32, #tpu.memory_space<vmem>>, vector<1x1x128x256xf32>
    %get3A_236 = vector.shape_cast %get3A_235 : vector<1x1x128x256xf32> to vector<128x256xf32>
    %sub3A_237 = arith.subf %get3A_236, %get3A_3 : vector<128x256xf32>
    %convert_element_type3A_238 = arith.truncf %sub3A_237 : vector<128x256xf32> to vector<128x256xbf16>
    %concatenate3A_239 = tpu.concatenate %convert_element_type3A_238, %convert_element_type3A in 0 : vector<128x256xbf16>, vector<128x256xbf16> -> vector<256x256xbf16>
    %dot_general3A_240 = arith.constant dense<0.000000e+00> : vector<256x256xf32>
    %dot_general3A_241 = tpu.matmul %convert_element_type3A_7, %concatenate3A_239, %dot_general3A_240 {dimension_numbers = #tpu.dot_dimension_numbers<[1], [0], [0], [1], [0, 0, 1, 1], [], []>, transpose_lhs_hint = false} : vector<256x256xbf16>, vector<256x256xbf16>, vector<256x256xf32> -> vector<256x256xf32>
    %max3A_242 = arith.maximumf %max3A_230, %dot_general3A_241 : vector<256x256xf32>
    %swap3A = arith.constant 0 : index
    %swap3A_243 = arith.constant 0 : index
    %swap3A_244 = arith.constant 0 : index
    %swap3A_245 = vector.load %arg5[%swap3A, %swap3A_243, %swap3A_244] : memref<1x256x256xf32, #tpu.memory_space<vmem>>, vector<1x256x256xf32>
    %swap3A_246 = vector.shape_cast %swap3A_245 : vector<1x256x256xf32> to vector<256x256xf32>
    %swap3A_247 = vector.shape_cast %max3A_242 : vector<256x256xf32> to vector<1x256x256xf32>
    tpu.vector_store %arg5[%swap3A, %swap3A_243, %swap3A_244], %swap3A_247 {strides = array<i32>} : memref<1x256x256xf32, #tpu.memory_space<vmem>>, vector<1x256x256xf32>,
    %add3A = arith.addf %dot_general3A_15, %dot_general3A_26 : vector<256x256xf32>
    %add3A_248 = arith.addf %dot_general3A_37, %dot_general3A_49 : vector<256x256xf32>
    %add3A_249 = arith.addf %dot_general3A_61, %dot_general3A_73 : vector<256x256xf32>
    %add3A_250 = arith.addf %dot_general3A_85, %dot_general3A_97 : vector<256x256xf32>
    %add3A_251 = arith.addf %dot_general3A_109, %dot_general3A_121 : vector<256x256xf32>
    %add3A_252 = arith.addf %dot_general3A_133, %dot_general3A_145 : vector<256x256xf32>
    %add3A_253 = arith.addf %dot_general3A_157, %dot_general3A_169 : vector<256x256xf32>
    %add3A_254 = arith.addf %dot_general3A_181, %dot_general3A_193 : vector<256x256xf32>
    %add3A_255 = arith.addf %dot_general3A_205, %dot_general3A_217 : vector<256x256xf32>
    %add3A_256 = arith.addf %dot_general3A_229, %dot_general3A_241 : vector<256x256xf32>
    %add3A_257 = arith.addf %add3A, %add3A_248 : vector<256x256xf32>
    %add3A_258 = arith.addf %add3A_249, %add3A_250 : vector<256x256xf32>
    %add3A_259 = arith.addf %add3A_251, %add3A_252 : vector<256x256xf32>
    %add3A_260 = arith.addf %add3A_253, %add3A_254 : vector<256x256xf32>
    %add3A_261 = arith.addf %add3A_255, %add3A_256 : vector<256x256xf32>
    %add3A_262 = arith.addf %add3A_257, %add3A_258 : vector<256x256xf32>
    %add3A_263 = arith.addf %add3A_259, %add3A_260 : vector<256x256xf32>
    %add3A_264 = arith.addf %add3A_262, %add3A_263 : vector<256x256xf32>
    %add3A_265 = arith.addf %add3A_264, %add3A_261 : vector<256x256xf32>
    %reduce_sum3A = arith.constant dense<0.000000e+00> : vector<256xf32>
    %reduce_sum3A_266 = vector.multi_reduction <add>, %add3A_265, %reduce_sum3A [1] : vector<256x256xf32> to vector<256xf32>
    %broadcast_in_dim3A = vector.shape_cast %reduce_sum3A_266 : vector<256xf32> to vector<256x1xf32>
    %swap3A_267 = arith.constant 0 : index
    %swap3A_268 = arith.constant 0 : index
    %swap3A_269 = arith.constant 0 : index
    %swap3A_270 = arith.constant 0 : index
    %swap3A_271 = vector.load %arg6[%swap3A_267, %swap3A_268, %swap3A_269, %swap3A_270] : memref<1x1x256x1xf32, #tpu.memory_space<vmem>>, vector<1x1x256x1xf32>
    %swap3A_272 = vector.shape_cast %swap3A_271 : vector<1x1x256x1xf32> to vector<256x1xf32>
    %swap3A_273 = vector.shape_cast %broadcast_in_dim3A : vector<256x1xf32> to vector<1x1x256x1xf32>
    tpu.vector_store %arg6[%swap3A_267, %swap3A_268, %swap3A_269, %swap3A_270], %swap3A_273 {strides = array<i32>} : memref<1x1x256x1xf32, #tpu.memory_space<vmem>>, vector<1x1x256x1xf32>,
    %mul3A = arith.mulf %dot_general3A_15, %dot_general3A_15 : vector<256x256xf32>
    %mul3A_274 = arith.mulf %dot_general3A_26, %dot_general3A_26 : vector<256x256xf32>
    %mul3A_275 = arith.mulf %dot_general3A_37, %dot_general3A_37 : vector<256x256xf32>
    %mul3A_276 = arith.mulf %dot_general3A_49, %dot_general3A_49 : vector<256x256xf32>
    %mul3A_277 = arith.mulf %dot_general3A_61, %dot_general3A_61 : vector<256x256xf32>
    %mul3A_278 = arith.mulf %dot_general3A_73, %dot_general3A_73 : vector<256x256xf32>
    %mul3A_279 = arith.mulf %dot_general3A_85, %dot_general3A_85 : vector<256x256xf32>
    %mul3A_280 = arith.mulf %dot_general3A_97, %dot_general3A_97 : vector<256x256xf32>
    %mul3A_281 = arith.mulf %dot_general3A_109, %dot_general3A_109 : vector<256x256xf32>
    %mul3A_282 = arith.mulf %dot_general3A_121, %dot_general3A_121 : vector<256x256xf32>
    %mul3A_283 = arith.mulf %dot_general3A_133, %dot_general3A_133 : vector<256x256xf32>
    %mul3A_284 = arith.mulf %dot_general3A_145, %dot_general3A_145 : vector<256x256xf32>
    %mul3A_285 = arith.mulf %dot_general3A_157, %dot_general3A_157 : vector<256x256xf32>
    %mul3A_286 = arith.mulf %dot_general3A_169, %dot_general3A_169 : vector<256x256xf32>
    %mul3A_287 = arith.mulf %dot_general3A_181, %dot_general3A_181 : vector<256x256xf32>
    %mul3A_288 = arith.mulf %dot_general3A_193, %dot_general3A_193 : vector<256x256xf32>
    %mul3A_289 = arith.mulf %dot_general3A_205, %dot_general3A_205 : vector<256x256xf32>
    %mul3A_290 = arith.mulf %dot_general3A_217, %dot_general3A_217 : vector<256x256xf32>
    %mul3A_291 = arith.mulf %dot_general3A_229, %dot_general3A_229 : vector<256x256xf32>
    %mul3A_292 = arith.mulf %dot_general3A_241, %dot_general3A_241 : vector<256x256xf32>
    %add3A_293 = arith.addf %mul3A, %mul3A_274 : vector<256x256xf32>
    %add3A_294 = arith.addf %mul3A_275, %mul3A_276 : vector<256x256xf32>
    %add3A_295 = arith.addf %mul3A_277, %mul3A_278 : vector<256x256xf32>
    %add3A_296 = arith.addf %mul3A_279, %mul3A_280 : vector<256x256xf32>
    %add3A_297 = arith.addf %mul3A_281, %mul3A_282 : vector<256x256xf32>
    %add3A_298 = arith.addf %mul3A_283, %mul3A_284 : vector<256x256xf32>
    %add3A_299 = arith.addf %mul3A_285, %mul3A_286 : vector<256x256xf32>
    %add3A_300 = arith.addf %mul3A_287, %mul3A_288 : vector<256x256xf32>
    %add3A_301 = arith.addf %mul3A_289, %mul3A_290 : vector<256x256xf32>
    %add3A_302 = arith.addf %mul3A_291, %mul3A_292 : vector<256x256xf32>
    %add3A_303 = arith.addf %add3A_293, %add3A_294 : vector<256x256xf32>
    %add3A_304 = arith.addf %add3A_295, %add3A_296 : vector<256x256xf32>
    %add3A_305 = arith.addf %add3A_297, %add3A_298 : vector<256x256xf32>
    %add3A_306 = arith.addf %add3A_299, %add3A_300 : vector<256x256xf32>
    %add3A_307 = arith.addf %add3A_301, %add3A_302 : vector<256x256xf32>
    %add3A_308 = arith.addf %add3A_303, %add3A_304 : vector<256x256xf32>
    %add3A_309 = arith.addf %add3A_305, %add3A_306 : vector<256x256xf32>
    %add3A_310 = arith.addf %add3A_308, %add3A_309 : vector<256x256xf32>
    %add3A_311 = arith.addf %add3A_310, %add3A_307 : vector<256x256xf32>
    %reduce_sum3A_312 = arith.constant dense<0.000000e+00> : vector<256xf32>
    %reduce_sum3A_313 = vector.multi_reduction <add>, %add3A_311, %reduce_sum3A_312 [1] : vector<256x256xf32> to vector<256xf32>
    %broadcast_in_dim3A_314 = vector.shape_cast %reduce_sum3A_313 : vector<256xf32> to vector<256x1xf32>
    %swap3A_315 = arith.constant 0 : index
    %swap3A_316 = arith.constant 0 : index
    %swap3A_317 = arith.constant 0 : index
    %swap3A_318 = arith.constant 0 : index
    %swap3A_319 = vector.load %arg7[%swap3A_315, %swap3A_316, %swap3A_317, %swap3A_318] : memref<1x1x256x1xf32, #tpu.memory_space<vmem>>, vector<1x1x256x1xf32>
    %swap3A_320 = vector.shape_cast %swap3A_319 : vector<1x1x256x1xf32> to vector<256x1xf32>
    %swap3A_321 = vector.shape_cast %broadcast_in_dim3A_314 : vector<256x1xf32> to vector<1x1x256x1xf32>
    tpu.vector_store %arg7[%swap3A_315, %swap3A_316, %swap3A_317, %swap3A_318], %swap3A_321 {strides = array<i32>} : memref<1x1x256x1xf32, #tpu.memory_space<vmem>>, vector<1x1x256x1xf32>,
    return
  }
  func.func @transform_0(%arg0: i32, %arg1: i32) -> (i32, i32, i32, i32) {
    %c0_i32 = arith.constant 0 : i32
    %c0_i32_0 = arith.constant 0 : i32
    %c0_i32_1 = arith.constant 0 : i32
    return %arg0, %c0_i32, %c0_i32_0, %arg1 : i32, i32, i32, i32
  }
  func.func @transform_1(%arg0: i32, %arg1: i32) -> (i32, i32, i32) {
    %c0_i32 = arith.constant 0 : i32
    %c0_i32_0 = arith.constant 0 : i32
    return %arg0, %c0_i32, %arg1 : i32, i32, i32
  }
  func.func @transform_2(%arg0: i32, %arg1: i32) -> (i32, i32) {
    %c0_i32 = arith.constant 0 : i32
    %c0_i32_0 = arith.constant 0 : i32
    %c0_i32_1 = arith.constant 0 : i32
    return %c0_i32, %c0_i32_0 : i32, i32
  }
  func.func @transform_3(%arg0: i32, %arg1: i32) -> (i32, i32, i32) {
    %c0_i32 = arith.constant 0 : i32
    %c0_i32_0 = arith.constant 0 : i32
    return %arg0, %c0_i32, %arg1 : i32, i32, i32
  }
  func.func @transform_4(%arg0: i32, %arg1: i32) -> (i32, i32, i32, i32) {
    %c0_i32 = arith.constant 0 : i32
    %c0_i32_0 = arith.constant 0 : i32
    %c0_i32_1 = arith.constant 0 : i32
    return %arg0, %arg1, %c0_i32, %c0_i32_0 : i32, i32, i32, i32
  }
  func.func @transform_5(%arg0: i32, %arg1: i32) -> (i32, i32, i32, i32) {
    %c0_i32 = arith.constant 0 : i32
    %c0_i32_0 = arith.constant 0 : i32
    %c0_i32_1 = arith.constant 0 : i32
    return %arg0, %arg1, %c0_i32, %c0_i32_0 : i32, i32, i32, i32
  }
}

</mosaic_0001>

<sc_bundles>
// kernel: sparse-core-data-format-call.1.cloned.1.call-start
scs
called_computation.1_lowered:
.L_overlay_start_0:
0x0: {  	s1 =	sld [smem:$0x3FD9]  }
0x1: {  	s2 =	sld [smem:$0x3FFE];
	_ =	sdelay $0x1  }
0x2: {  	s3 =	srdreg.scid  }
0x3: {  	s0 =	sand.u32 $0x1, s3  }
0x4: {  	s17 =	sshll.u32 s0, $0xA;
	s1 =	sadd.s32 s2, s1  }
0x5: {  	s1 =	sadd.s32 s1, s17  }
0x6: {  	[smem:$0x3FAF] =	sst s1  }
0x7: {  	_ = 	snop  }
0x8: {  	(tm) =	ssettm $0x1  }
0x9: {  	s18 =	sld [smem:$0x3FFB];
	_ =	sdelay $0x3  }
0xa: {  	_ =	strace s18  }
0xb: {  	s1 =	sld [smem:$0x3FFC];
	_ =	sdelay $0x3  }
0xc: {  	_ =	strace s1  }
0xd: {  	s1 =	sld [smem:$0x3FFD];
	_ =	sdelay $0x3  }
0xe: {  	_ =	strace s1  }
0xf: {  	_ =	strace $0x8FFFFFFF  }
0x10: {  	s19 =	sld [smem:$0x3FDB];
	_ =	sdelay $0x1  }
0x11: {  	s20 =	simm.s32 $_scs_section_size  }
0x12: {  	s4 =	simm.s32 $_size__tile_overlayer_lowered;
	s5 =	simm.s32 $_tile_overlayer_lowered  }
0x13: {  	s23 =	simm.s32 $0x1BFF;
	s22 =	sshll.u32 s5, $0x1;
	s1 =	sadd.s32 s20, s19  }
0x14: {  	s6 =	simm.s32 $0x0;
	s21 =	sshll.u32 s4, $0x1;
	s4 =	sadd.s32 s22, s1  }
0x15: {  	[timem:s6], [sflag:s23] =	dma.local [hbm:s4], s21  }
0x16: {  	_ =	swait.ge [sflag:s23], s21  }
0x17: {  	s2 =	ssub.s32 $0x0, s21;
	[sflag:s23] =	ssyncset.done $0x0  }
0x18: {  	[sflag:s23] =	ssyncadd.s32 s2;
	_ =	sdelay $0x1  }
0x19: {  	s24 =	simm.s32 $0x1B8B  }
0x1a: {  	_ =	swait.ge [sflag:s24], $0x1  }
0x1b: {  	[sflag:s24] =	ssyncset.done $0x0  }
0x1c: {  	s26 =	simm.s32 $0x1B8E;
	s25 =	sld [smem:$0x3FFE];
	[sflag:s24] =	ssyncadd.s32 $0xFFFFFFFF  }
0x1d: {  	s27 =	simm.s32 $execute0_lowered;
	[smem:$0x3FD2] =	sst s26  }
0x1e: {  	s4 =	sshll.u32 s27, $0x1;
	_ =	strace $0x80000046;
	[dreg:$0x1] =	wrdreg $0xFFFFFFFF  }
0x1f: {  	s28 =	simm.s32 $_size_execute0_lowered;
	s1 =	sadd.s32 s1, s4;
	[dreg:$0x0] =	wrdreg $0x0  }
0x20: {  	s4 =	sshll.u32 s28, $0x1;
	[dreg:$0x2] =	wrdreg s1  }
0x21: {  	[dreg:$0x3] =	wrdreg s4  }
0x22: {  	[dreg:$0x4] =	wrdreg $0xC0  }
0x23: {  	_ =	task [dreg:s6], $0x5FFFF  }
0x24: {  	[dreg:$0x1] =	wrdreg $0xFFFFFFFF  }
0x25: {  	[dreg:$0x0] =	wrdreg $0x60  }
0x26: {  	[dreg:$0x2] =	wrdreg s25  }
0x27: {  	[dreg:$0x3] =	wrdreg $0x9  }
0x28: {  	_ =	task.clear_ibuf [dreg:s6], $0x4FFFF;
	_ =	strace $0x90000046  }
0x29: {  	s29 =	simm.s32 $0x9;
	_ =	strace $0x80000048  }
0x2a: {  	_ =	swait.ge [sflag:s29], $0x1  }
0x2b: {  	[sflag:s29] =	ssyncadd.s32 $0xFFFFFFFF  }
0x2c: {  	_ =	strace $0x90000048  }
0x2d: {  	_ =	sfence  }
0x2e: {  	s30 =	sld [smem:$0x0];
	_ =	sdelay $0x2  }
0x2f: {  	s31 =	sshll.u32 s3, $0xD;
	s3 =	sshrl.u32 s3, $0x2  }
0x30: {  	s2 =	sand.u32 $0x4000, s31;
	s1 =	sadd.s32 s3, s30  }
0x31: {  	s0 =	sor.u32 s2, s0;
	s1 =	sshll.u32 s1, $0x11  }
0x32: {  	s0 =	sor.u32 s1, s0  }
0x33: {  	s0 =	sadd.s32 $0x8F2B, s0  }
0x34: {  	[sflag:s0] =	ssyncadd.remote.s32 $0x1  }
0x35: {  	_ =	sfence.sel $0xFFFF  }
0x36: {  	[dreg:$0x0] =	wrdreg $0xFFFFFFFF;
	(pc) =	sbr.abs _section_cstart, $3  }
0x37: {  	[dreg:$0x1] =	wrdreg $0xFFFFFFFF  }
0x38: {  	_ =	task.clear_ibuf [dreg:s6], $0x2FFFF;
	_ =	strace $0x9FFFFFFF  }
0x39: {  	(tm) =	ssettm $0x7FFFFFFF  }
tec
execute0_lowered:
.L_overlay_start_1:
0x0: {  	(tag) =	ssettag $0x1  }
0x1: {  	s0 =	stileid.u32;
	s1 =	srdreg.scid  }
0x2: {  	s4 =	rddreg [dreg:$0x0];
	s2 =	sshll.u32 s0, $0x4;
	s1 =	sshll.u32 s1, $0x8  }
0x3: {  	s5 =	simm.s32 $0x1;
	s8 =	simm.s32 $0x2;
	s1 =	sor.u32 s2, s1  }
0x4: {  	s14 =	simm.s32 $0x0;
	s9 =	simm.s32 $0x4000;
	s2 =	sand.u32 $0x180, s1  }
0x5: {  	s15 =	simm.s32 $0x0;
	s16 =	simm.s32 $0x0;
	s3 =	ssub.s32 $0x800, s2  }
0x6: {  	s10 =	simm.s32 $0x0;
	s7 =	sand.u32 $0x7, s0;
	s31 =	sand.u32 $0x180, s3  }
0x7: {  	s13 =	simm.s32 $0x0;
	s12 =	smov.u32 s7;
	p0 =	sne.s32 s31, $0x0  }
.Ltmp0:
0x8: {  	s6 =	sshrl.u32 s3, $0x9;
	s5 =	simm.s32 @!p0 $0x0;
	(pc) =	sbr.rel .LBB1_1-.Ltmp0, $4  }
0x9: {  	s1 =	rddreg [dreg:$0x1];
	_ =	strace $0x80000047;
	s6 =	sadd.s32 s5, s6  }
0xa: {  	s11 =	smov.u32 s2;
	s5 =	simm.s32 $0x1;
	s6 =	smul.u32 $0x14, s6  }
0xb: {  	s3 =	sadd.s32 $0x520000, s4;
	s4 =	sadd.s32 $0x20000, s4;
	[sflag:s5] =	ssyncpa.u1 $0x0  }
0xc: {  	p0 =	por $0x0, $0x0;
	[sflag:s8] =	ssyncpa.u1 $0x0;
	s8 =	sor.u32 $0x1, s6  }
.LBB1_4:
0xd: {  	s16 =	smul.u32 $0x50000, s16  }
0xe: {  	s19 =	sshll.u32 s15, $0x3;
	s20 =	sand.u32 $0x78, s15;
	s30 =	sand.u32 $0x3F00, s15  }
0xf: {  	s14 =	sshll.u32 s14, $0xE;
	s19 =	sand.u32 $0x400, s19;
	s16 =	sadd.s32 s4, s16  }
0x10: {  	[tilespmem:s18+$0x810 ss:$0x81] =	vst.msk $0xffff, v2;
	s31 =	sand.u32 $0x7, s15;
	s19 =	sor.u32 s20, s19;
	s16 =	sadd.s32 s30, s16  }
0x11: {  	[tilespmem:s18+$0x1020 ss:$0x81] =	vst.msk $0xffff, v0;
	s15 =	sshll.u32 s31, $0x12;
	s19 =	sshrl.u32 s19, $0x3;
	s14 =	sadd.s32 s14, s16  }
0x12: {  	[tilespmem:s18+$0x0 ss:$0x81] =	vst.msk $0xffff, v1;
	s15 =	sor.u32 $0x400, s15;
	s14 =	sadd.s32 s19, s14  }
0x13: {  	[hbm4b:s14+s15] =	stream.strided.scatter [tilespmem:s17], [sflag:$0x2], $0x2000, s9, s15, $0x20;
	[tilespmem:$0x8080] =	vst v63  }
.LBB1_5:
0x14: {  	s17 =	sadd.s32 $0x1, s10  }
0x15: {  	s14 =	sadd.s32 $0x200, s11;
	s18 =	smov.u32 s11;
	p2 =	sgt.s32 s17, $0x13  }
0x16: {  	s18 =	smov.u32 @p2 s14  }
0x17: {  	s20 =	smov.u32 s12;
	s14 =	sadd.s32 $0x8, s12;
	p3 =	sgt.s32 s18, $0x7FF  }
0x18: {  	s20 =	smov.u32 @p3 s14  }
0x19: {  	s17 =	simm.s32 @p2 $0x0;
	p2 =	sgt.s32 s20, $0x7  }
0x1a: {  	p1 =	slt.u32 s13, $0x2;
	s20 =	smov.u32 @p2 s7;
	p2 =	sne.s32 s13, s8  }
.Ltmp1:
0x1b: {  	s19 =	simm.s32 @!p1 $0x2;
	(pc) =	sbr.rel @!p2 .LBB1_6-.Ltmp1, $4  }
0x1c: {  	s15 =	smov.u32 s11;
	s16 =	smov.u32 s12;
	_ =	swait.ge @!p1 [sflag:s19], $0x2000  }
0x1d: {  	p0 =	por !p0, !p0;
	[sflag:s19] =	ssyncset.done @!p1 $0x0;
	s18 =	smov.u32 @p3 s2  }
0x1e: {  	s14 =	smov.u32 s10;
	[sflag:s19] =	ssyncadd.s32 @!p1 $0xFFFFE000;
	s10 =	smov.u32 s17  }
0x1f: {  	s11 =	smov.u32 s18;
	s13 =	sadd.s32 $0x1, s13;
	s12 =	smov.u32 s20  }
.LBB1_1:
0x20: {  	p1 =	sge.u32 s13, s6  }
0x21: {  	s17 =	sand.u32 @!p1 $0x1FFFFFF, s10;
	s19 =	smul.u32 @!p1 $0xC0000, s12  }
0x22: {  	s18 =	smulhi.u32 @!p1 $0xAAAAAAB, s17  }
0x23: {  	s21 =	smul.u32 @!p1 $0x180, s11  }
0x24: {  	s18 =	smul.u32 @!p1 $0x18, s18  }
0x25: {  	s31 =	sadd.s32 $0xFFFFFFFF, s13;
	s19 =	sadd.s32 @!p1 s3, s19  }
0x26: {  	s20 =	sxor.u32 @!p1 $0xFFFFFFFF, s13;
	s19 =	sadd.s32 @!p1 s21, s19;
	s17 =	ssub.s32 @!p1 s17, s18  }
0x27: {  	s18 =	sshll.u32 @!p1 s20, $0xD;
	s20 =	simm.s32 @!p1 $0xC00;
	s17 =	sshll.u32 @!p1 s17, $0x4  }
0x28: {  	s18 =	sand.u32 @!p1 $0x2000, s18;
	s17 =	sadd.s32 @!p1 s17, s19;
	s19 =	simm.s32 @!p1 $0x40  }
0x29: {  	[tilespmem:s18], [sflag:$0x1] =	stream.strided.gather @!p1 [hbm4b:s17+s19], $0x2000, s20, s19, $0x38;
	[tilespmem:$0x8080] =	vst v63  }
0x2a: {  	p1 =	sge.u32 s31, s6  }
.Ltmp2:
0x2b: {  	_ = 	snop;
	(pc) =	sbr.rel @p1 .LBB1_5-.Ltmp2, $1  }
0x2c: {  	_ =	sdelay $0x3  }
0x2d: {  	s17 =	simm.s32 $0x1  }
0x2e: {  	_ =	swait.ge [sflag:s5], $0x2000;
	s17 =	simm.s32 @!p0 $0x0  }
0x2f: {  	[sflag:s5] =	ssyncset.done $0x0;
	s18 =	sshll.u32 s17, $0xD  }
0x30: {  	[sflag:s5] =	ssyncadd.s32 $0xFFFFE000;
	s21 =	sor.u32 $0x20, s18  }
0x31: {  	s17 =	smul.u32 $0x8100, s17;
	v3 =	vld [tilespmem:s21+$0x10]  }
0x32: {  	s30 =	sand.u32 $0x1, s13;
	v2 =	vld [tilespmem:s21+$0xFFFFFFF0]  }
0x33: {  	s18 =	smul.u32 $0x8100, s30;
	s17 =	sshrl.u32 s17, $0x2;
	v0 =	vld [tilespmem:s21+$0x0]  }
0x34: {  	v1 =	vld [tilespmem:s21+$0xFFFFFFE0];
	s19 =	sor.u32 $0x4000, s17  }
0x35: {  	s31 =	sshrl.u32 s18, $0x2;
	s18 =	sadd.s32 $0x0, s19  }
0x36: {  	s20 =	simm.s32 $0x4;
	s21 =	sadd.s32 $0x40, s21;
	s17 =	sor.u32 $0x4000, s31;
	[tilespmem:s18+$0x1830 ss:$0x81] =	vst.msk $0xffff, v3  }
.LBB1_3:
0x37: {  	v3 =	vld [tilespmem:s21+$0x10];
	p1 =	sne.s32 s20, $0x1FC;
	[tilespmem:s18+$0x810 ss:$0x81] =	vst.msk $0xffff, v2;
	s22 =	smov.u32 s20;
	s20 =	sadd.s32 $0x4, s20  }
.Ltmp3:
0x38: {  	v2 =	vld [tilespmem:s21+$0xFFFFFFF0];
	[tilespmem:s18+$0x1020 ss:$0x81] =	vst.msk $0xffff, v0;
	(pc) =	sbr.rel @p1 .LBB1_3-.Ltmp3, $4  }
0x39: {  	v0 =	vld [tilespmem:s21+$0x0];
	[tilespmem:s18+$0x0 ss:$0x81] =	vst.msk $0xffff, v1  }
0x3a: {  	s18 =	sshra.s32 s22, $0x2;
	v1 =	vld [tilespmem:s21+$0xFFFFFFE0]  }
0x3b: {  	s18 =	sadd.s32 s18, s19  }
0x3c: {  	s21 =	sadd.s32 $0x40, s21;
	[tilespmem:s18+$0x1830 ss:$0x81] =	vst.msk $0xffff, v3  }
.Ltmp4:
0x3d: {  	_ = 	snop;
	(pc) =	sbr.rel .LBB1_4-.Ltmp4, $1  }
0x3e: {  	_ =	sdelay $0x3  }
.LBB1_6:
0x3f: {  	_ =	sfence.sel $0x180000  }
0x40: {  	s2 =	simm.s32 $0x1;
	[bflag:$0x0] =	sbarrier.arrive $0xFFFF  }
0x41: {  	s31 =	simm.s32 $0x2;
	[sflag:s2] =	ssyncpa.u1 $0x1  }
0x42: {  	[sflag:s31] =	ssyncpa.u1 $0x1  }
0x43: {  	p0 =	sne.s32 s0, $0x0;
	_ =	strace $0x90000047  }
0x44: {  	s0 =	sadd.s32 @!p0 $0x100000, s1;
	[bflag:$0x2] =	sbarrier.arrive $0xFFFF  }
0x45: {  	[sflag:s0] =	ssyncadd.tile.s32 @!p0 $0x1;
	_ =	shalt  }
.Lfunc_end1:
_tile_overlayer_lowered:
.L_overlay_start_2:
0x46: {  	(tag) =	ssettag $0x2  }
0x47: {  	s0 =	rddreg [dreg:$0x0];
	s2 =	stileid.u32  }
0x48: {  	s1 =	rddreg [dreg:$0x1];
	p0 =	sne.s32 s2, $0x0  }
0x49: {  	s3 =	rddreg [dreg:$0x2];
	[bflag:$0x3] =	sbarrier.arrive $0xFFFF;
	s2 =	simm.s32 @!p0 $0x1C01  }
0x4a: {  	[timem:s3], [sflag:s2] =	dma.local @!p0 [hbm:s0], s1  }
0x4b: {  	s0 =	simm.s32 @!p0 $0x1  }
0x4c: {  	_ =	swait.ge @!p0 [sflag:s0], s1  }
0x4d: {  	s1 =	ssub.s32 @!p0 $0x0, s1;
	[sflag:s0] =	ssyncset.done @!p0 $0x0  }
0x4e: {  	[sflag:s0] =	ssyncadd.s32 @!p0 s1  }
0x4f: {  	[bflag:$0x3] =	sbarrier.arrive $0xFFFF  }
0x50: {  	_ =	shalt  }

// kernel: sparse-core-data-format-call.cloned.1.call-start
scs
called_computation_lowered:
.L_overlay_start_0:
0x0: {  	s1 =	sld [smem:$0x3FD9]  }
0x1: {  	s2 =	sld [smem:$0x3FFE];
	_ =	sdelay $0x1  }
0x2: {  	s3 =	srdreg.scid  }
0x3: {  	s0 =	sand.u32 $0x1, s3  }
0x4: {  	s17 =	sshll.u32 s0, $0xA;
	s1 =	sadd.s32 s2, s1  }
0x5: {  	s1 =	sadd.s32 s1, s17  }
0x6: {  	[smem:$0x3FAF] =	sst s1  }
0x7: {  	_ = 	snop  }
0x8: {  	(tm) =	ssettm $0x1  }
0x9: {  	s18 =	sld [smem:$0x3FFB];
	_ =	sdelay $0x3  }
0xa: {  	_ =	strace s18  }
0xb: {  	s1 =	sld [smem:$0x3FFC];
	_ =	sdelay $0x3  }
0xc: {  	_ =	strace s1  }
0xd: {  	s1 =	sld [smem:$0x3FFD];
	_ =	sdelay $0x3  }
0xe: {  	_ =	strace s1  }
0xf: {  	_ =	strace $0x8FFFFFFF  }
0x10: {  	s19 =	sld [smem:$0x3FDB];
	_ =	sdelay $0x1  }
0x11: {  	s20 =	simm.s32 $_scs_section_size  }
0x12: {  	s4 =	simm.s32 $_size__tile_overlayer_lowered;
	s5 =	simm.s32 $_tile_overlayer_lowered  }
0x13: {  	s23 =	simm.s32 $0x1BFF;
	s22 =	sshll.u32 s5, $0x1;
	s1 =	sadd.s32 s20, s19  }
0x14: {  	s6 =	simm.s32 $0x0;
	s21 =	sshll.u32 s4, $0x1;
	s4 =	sadd.s32 s22, s1  }
0x15: {  	[timem:s6], [sflag:s23] =	dma.local [hbm:s4], s21  }
0x16: {  	_ =	swait.ge [sflag:s23], s21  }
0x17: {  	s2 =	ssub.s32 $0x0, s21;
	[sflag:s23] =	ssyncset.done $0x0  }
0x18: {  	[sflag:s23] =	ssyncadd.s32 s2;
	_ =	sdelay $0x1  }
0x19: {  	s24 =	simm.s32 $0x1B8B  }
0x1a: {  	_ =	swait.ge [sflag:s24], $0x1  }
0x1b: {  	[sflag:s24] =	ssyncset.done $0x0  }
0x1c: {  	s26 =	simm.s32 $0x1B8E;
	s25 =	sld [smem:$0x3FFE];
	[sflag:s24] =	ssyncadd.s32 $0xFFFFFFFF  }
0x1d: {  	s27 =	simm.s32 $execute0_lowered;
	[smem:$0x3FD2] =	sst s26  }
0x1e: {  	s4 =	sshll.u32 s27, $0x1;
	_ =	strace $0x80000049;
	[dreg:$0x1] =	wrdreg $0xFFFFFFFF  }
0x1f: {  	s28 =	simm.s32 $_size_execute0_lowered;
	s1 =	sadd.s32 s1, s4;
	[dreg:$0x0] =	wrdreg $0x0  }
0x20: {  	s4 =	sshll.u32 s28, $0x1;
	[dreg:$0x2] =	wrdreg s1  }
0x21: {  	[dreg:$0x3] =	wrdreg s4  }
0x22: {  	[dreg:$0x4] =	wrdreg $0xC0  }
0x23: {  	_ =	task [dreg:s6], $0x5FFFF  }
0x24: {  	[dreg:$0x1] =	wrdreg $0xFFFFFFFF  }
0x25: {  	[dreg:$0x0] =	wrdreg $0x60  }
0x26: {  	[dreg:$0x2] =	wrdreg s25  }
0x27: {  	[dreg:$0x3] =	wrdreg $0x9  }
0x28: {  	_ =	task.clear_ibuf [dreg:s6], $0x4FFFF;
	_ =	strace $0x90000049  }
0x29: {  	s29 =	simm.s32 $0x9;
	_ =	strace $0x8000004B  }
0x2a: {  	_ =	swait.ge [sflag:s29], $0x1  }
0x2b: {  	[sflag:s29] =	ssyncadd.s32 $0xFFFFFFFF  }
0x2c: {  	_ =	strace $0x9000004B  }
0x2d: {  	_ =	sfence  }
0x2e: {  	s30 =	sld [smem:$0x0];
	_ =	sdelay $0x2  }
0x2f: {  	s31 =	sshll.u32 s3, $0xD;
	s3 =	sshrl.u32 s3, $0x2  }
0x30: {  	s2 =	sand.u32 $0x4000, s31;
	s1 =	sadd.s32 s3, s30  }
0x31: {  	s0 =	sor.u32 s2, s0;
	s1 =	sshll.u32 s1, $0x11  }
0x32: {  	s0 =	sor.u32 s1, s0  }
0x33: {  	s0 =	sadd.s32 $0x8F2B, s0  }
0x34: {  	[sflag:s0] =	ssyncadd.remote.s32 $0x1  }
0x35: {  	_ =	sfence.sel $0xFFFF  }
0x36: {  	[dreg:$0x0] =	wrdreg $0xFFFFFFFF;
	(pc) =	sbr.abs _section_cstart, $3  }
0x37: {  	[dreg:$0x1] =	wrdreg $0xFFFFFFFF  }
0x38: {  	_ =	task.clear_ibuf [dreg:s6], $0x2FFFF;
	_ =	strace $0x9FFFFFFF  }
0x39: {  	(tm) =	ssettm $0x7FFFFFFF  }
tec
execute0_lowered:
.L_overlay_start_1:
0x0: {  	(tag) =	ssettag $0x1  }
0x1: {  	s0 =	stileid.u32;
	s1 =	srdreg.scid  }
0x2: {  	s4 =	rddreg [dreg:$0x0];
	s2 =	sshll.u32 s0, $0x4;
	s1 =	sshll.u32 s1, $0x8  }
0x3: {  	s5 =	simm.s32 $0x1;
	s8 =	simm.s32 $0x2;
	s1 =	sor.u32 s2, s1  }
0x4: {  	s14 =	simm.s32 $0x0;
	s9 =	simm.s32 $0x4000;
	s2 =	sand.u32 $0x180, s1  }
0x5: {  	s15 =	simm.s32 $0x0;
	s16 =	simm.s32 $0x0;
	s3 =	ssub.s32 $0x800, s2  }
0x6: {  	s10 =	simm.s32 $0x0;
	s7 =	sand.u32 $0x7, s0;
	s31 =	sand.u32 $0x180, s3  }
0x7: {  	s13 =	simm.s32 $0x0;
	s12 =	smov.u32 s7;
	p0 =	sne.s32 s31, $0x0  }
.Ltmp0:
0x8: {  	s6 =	sshrl.u32 s3, $0x9;
	s5 =	simm.s32 @!p0 $0x0;
	(pc) =	sbr.rel .LBB1_1-.Ltmp0, $4  }
0x9: {  	s1 =	rddreg [dreg:$0x1];
	_ =	strace $0x8000004A;
	s6 =	sadd.s32 s5, s6  }
0xa: {  	s11 =	smov.u32 s2;
	s5 =	simm.s32 $0x1;
	s6 =	smul.u32 $0x14, s6  }
0xb: {  	s3 =	sadd.s32 $0x580000, s4;
	s4 =	sadd.s32 $0x80000, s4;
	[sflag:s5] =	ssyncpa.u1 $0x0  }
0xc: {  	p0 =	por $0x0, $0x0;
	[sflag:s8] =	ssyncpa.u1 $0x0;
	s8 =	sor.u32 $0x1, s6  }
.LBB1_4:
0xd: {  	v5 =	vld [tilespmem:s20+$0xFFFFFFD0];
	[tilespmem:s19+$0x2040 ss:$0x81] =	vst.msk $0xffff, v1  }
0xe: {  	v58 =	vld [tilespmem:s20+$0xFFFFFFE0];
	[tilespmem:s19+$0x2850 ss:$0x81] =	vst.msk $0xffff, v2  }
0xf: {  	s21 =	sshra.s32 s21, $0x2;
	v59 =	vld [tilespmem:s20+$0xFFFFFFF0];
	[tilespmem:s19+$0x3060 ss:$0x81] =	vst.msk $0xffff, v3  }
0x10: {  	v60 =	vld [tilespmem:s20+$0x0];
	[tilespmem:s19+$0x0 ss:$0x81] =	vst.msk $0xffff, v0;
	s18 =	sadd.s32 s21, s18  }
0x11: {  	v61 =	vld [tilespmem:s20+$0x10];
	[tilespmem:s18+$0x3870 ss:$0x81] =	vst.msk $0xffff, v4  }
0x12: {  	v62 =	vld [tilespmem:s20+$0x20];
	[tilespmem:s18+$0x810 ss:$0x81] =	vst.msk $0xffff, v5  }
0x13: {  	v63 =	vld [tilespmem:s20+$0xFFFFFFC0];
	s16 =	smul.u32 $0xA0000, s16;
	[tilespmem:s18+$0x1020 ss:$0x81] =	vst.msk $0xffff, v58  }
0x14: {  	s28 =	sshll.u32 s15, $0x3;
	s29 =	sand.u32 $0x78, s15;
	s30 =	sand.u32 $0x7F00, s15;
	[tilespmem:s18+$0x1830 ss:$0x81] =	vst.msk $0xffff, v59  }
0x15: {  	s14 =	sshll.u32 s14, $0xF;
	s19 =	sand.u32 $0x400, s28;
	s16 =	sadd.s32 s4, s16;
	[tilespmem:s18+$0x2040 ss:$0x81] =	vst.msk $0xffff, v60  }
0x16: {  	s31 =	sand.u32 $0x7, s15;
	s19 =	sor.u32 s29, s19;
	s16 =	sadd.s32 s30, s16;
	[tilespmem:s18+$0x2850 ss:$0x81] =	vst.msk $0xffff, v61  }
0x17: {  	s15 =	sshll.u32 s31, $0x12;
	s19 =	sshrl.u32 s19, $0x3;
	s14 =	sadd.s32 s14, s16;
	[tilespmem:s18+$0x3060 ss:$0x81] =	vst.msk $0xffff, v62  }
0x18: {  	s15 =	sor.u32 $0x400, s15;
	[tilespmem:s18+$0x0 ss:$0x81] =	vst.msk $0xffff, v63;
	s14 =	sadd.s32 s19, s14  }
0x19: {  	[hbm4b:s14+s15] =	stream.strided.scatter [tilespmem:s17], [sflag:$0x2], $0x4000, s9, s15, $0x20;
	[tilespmem:$0x10100] =	vst v63  }
.LBB1_5:
0x1a: {  	s17 =	sadd.s32 $0x1, s10  }
0x1b: {  	s14 =	sadd.s32 $0x200, s11;
	s18 =	smov.u32 s11;
	p2 =	sgt.s32 s17, $0x13  }
0x1c: {  	s18 =	smov.u32 @p2 s14  }
0x1d: {  	s20 =	smov.u32 s12;
	s14 =	sadd.s32 $0x8, s12;
	p3 =	sgt.s32 s18, $0x7FF  }
0x1e: {  	s20 =	smov.u32 @p3 s14  }
0x1f: {  	s17 =	simm.s32 @p2 $0x0;
	p2 =	sgt.s32 s20, $0x7  }
0x20: {  	p1 =	slt.u32 s13, $0x2;
	s20 =	smov.u32 @p2 s7;
	p2 =	sne.s32 s13, s8  }
.Ltmp1:
0x21: {  	s19 =	simm.s32 @!p1 $0x2;
	(pc) =	sbr.rel @!p2 .LBB1_6-.Ltmp1, $4  }
0x22: {  	s15 =	smov.u32 s11;
	s16 =	smov.u32 s12;
	_ =	swait.ge @!p1 [sflag:s19], $0x4000  }
0x23: {  	p0 =	por !p0, !p0;
	[sflag:s19] =	ssyncset.done @!p1 $0x0;
	s18 =	smov.u32 @p3 s2  }
0x24: {  	s14 =	smov.u32 s10;
	[sflag:s19] =	ssyncadd.s32 @!p1 $0xFFFFC000;
	s10 =	smov.u32 s17  }
0x25: {  	s11 =	smov.u32 s18;
	s13 =	sadd.s32 $0x1, s13;
	s12 =	smov.u32 s20  }
.LBB1_1:
0x26: {  	p1 =	sge.u32 s13, s6  }
0x27: {  	s17 =	sand.u32 @!p1 $0x1FFFFFF, s10;
	s19 =	smul.u32 @!p1 $0xC0000, s12  }
0x28: {  	s18 =	smulhi.u32 @!p1 $0xAAAAAAB, s17  }
0x29: {  	s21 =	smul.u32 @!p1 $0x180, s11  }
0x2a: {  	s18 =	smul.u32 @!p1 $0x18, s18  }
0x2b: {  	s31 =	sadd.s32 $0xFFFFFFFF, s13;
	s19 =	sadd.s32 @!p1 s3, s19  }
0x2c: {  	s20 =	sxor.u32 @!p1 $0xFFFFFFFF, s13;
	s19 =	sadd.s32 @!p1 s21, s19;
	s17 =	ssub.s32 @!p1 s17, s18  }
0x2d: {  	s18 =	sshll.u32 @!p1 s20, $0xE;
	s20 =	simm.s32 @!p1 $0xC00;
	s17 =	sshll.u32 @!p1 s17, $0x4  }
0x2e: {  	s18 =	sand.u32 @!p1 $0x4000, s18;
	s17 =	sadd.s32 @!p1 s17, s19;
	s19 =	simm.s32 @!p1 $0x80  }
0x2f: {  	[tilespmem:s18], [sflag:$0x1] =	stream.strided.gather @!p1 [hbm4b:s17+s19], $0x4000, s20, s19, $0x38;
	[tilespmem:$0x10100] =	vst v63  }
0x30: {  	p1 =	sge.u32 s31, s6  }
.Ltmp2:
0x31: {  	_ = 	snop;
	(pc) =	sbr.rel @p1 .LBB1_5-.Ltmp2, $1  }
0x32: {  	_ =	sdelay $0x3  }
0x33: {  	s17 =	simm.s32 $0x1  }
0x34: {  	_ =	swait.ge [sflag:s5], $0x4000;
	s17 =	simm.s32 @!p0 $0x0  }
0x35: {  	[sflag:s5] =	ssyncset.done $0x0;
	s18 =	sshll.u32 s17, $0xE  }
0x36: {  	[sflag:s5] =	ssyncadd.s32 $0xFFFFC000;
	s20 =	sor.u32 $0x40, s18  }
0x37: {  	s17 =	smul.u32 $0x10200, s17;
	v0 =	vld [tilespmem:s20+$0x30]  }
0x38: {  	v3 =	vld [tilespmem:s20+$0xFFFFFFD0]  }
0x39: {  	s17 =	sshrl.u32 s17, $0x2;
	v4 =	vld [tilespmem:s20+$0xFFFFFFE0]  }
0x3a: {  	v5 =	vld [tilespmem:s20+$0xFFFFFFF0];
	s18 =	sor.u32 $0x8000, s17  }
0x3b: {  	s31 =	sand.u32 $0x1, s13;
	v1 =	vld [tilespmem:s20+$0x0];
	s19 =	sadd.s32 $0x0, s18  }
0x3c: {  	v2 =	vld [tilespmem:s20+$0x10];
	s17 =	smul.u32 $0x10200, s31;
	[tilespmem:s19+$0x3870 ss:$0x81] =	vst.msk $0xffff, v0  }
0x3d: {  	[tilespmem:s19+$0x810 ss:$0x81] =	vst.msk $0xffff, v3;
	v3 =	vld [tilespmem:s20+$0x20]  }
0x3e: {  	s17 =	sshrl.u32 s17, $0x2;
	v0 =	vld [tilespmem:s20+$0xFFFFFFC0];
	[tilespmem:s19+$0x1020 ss:$0x81] =	vst.msk $0xffff, v4;
	s20 =	sadd.s32 $0x80, s20  }
0x3f: {  	s21 =	simm.s32 $0x4;
	s22 =	simm.s32 $0x8;
	s17 =	sor.u32 $0x8000, s17;
	[tilespmem:s19+$0x1830 ss:$0x81] =	vst.msk $0xffff, v5;
	v4 =	vld [tilespmem:s20+$0x30]  }
.LBB1_3:
0x40: {  	p1 =	sne.s32 s22, $0x1FC;
	v5 =	vld [tilespmem:s20+$0xFFFFFFD0];
	[tilespmem:s19+$0x2040 ss:$0x81] =	vst.msk $0xffff, v1  }
0x41: {  	v6 =	vld [tilespmem:s20+$0xFFFFFFE0];
	[tilespmem:s19+$0x2850 ss:$0x81] =	vst.msk $0xffff, v2  }
0x42: {  	s23 =	sshra.s32 s21, $0x2;
	s21 =	smov.u32 s22;
	v7 =	vld [tilespmem:s20+$0xFFFFFFF0];
	[tilespmem:s19+$0x3060 ss:$0x81] =	vst.msk $0xffff, v3  }
.Ltmp3:
0x43: {  	v1 =	vld [tilespmem:s20+$0x0];
	[tilespmem:s19+$0x0 ss:$0x81] =	vst.msk $0xffff, v0;
	s19 =	sadd.s32 s23, s18;
	(pc) =	sbr.rel @p1 .LBB1_3-.Ltmp3, $4  }
0x44: {  	v2 =	vld [tilespmem:s20+$0x10];
	[tilespmem:s19+$0x3870 ss:$0x81] =	vst.msk $0xffff, v4  }
0x45: {  	[tilespmem:s19+$0x810 ss:$0x81] =	vst.msk $0xffff, v5;
	v3 =	vld [tilespmem:s20+$0x20]  }
0x46: {  	v0 =	vld [tilespmem:s20+$0xFFFFFFC0];
	[tilespmem:s19+$0x1020 ss:$0x81] =	vst.msk $0xffff, v6;
	s20 =	sadd.s32 $0x80, s20  }
0x47: {  	s22 =	sadd.s32 $0x4, s22;
	v4 =	vld [tilespmem:s20+$0x30];
	[tilespmem:s19+$0x1830 ss:$0x81] =	vst.msk $0xffff, v7  }
.Ltmp4:
0x48: {  	_ = 	snop;
	(pc) =	sbr.rel .LBB1_4-.Ltmp4, $1  }
0x49: {  	_ =	sdelay $0x3  }
.LBB1_6:
0x4a: {  	_ =	sfence.sel $0x180000  }
0x4b: {  	s2 =	simm.s32 $0x1;
	[bflag:$0x0] =	sbarrier.arrive $0xFFFF  }
0x4c: {  	s31 =	simm.s32 $0x2;
	[sflag:s2] =	ssyncpa.u1 $0x1  }
0x4d: {  	[sflag:s31] =	ssyncpa.u1 $0x1  }
0x4e: {  	p0 =	sne.s32 s0, $0x0;
	_ =	strace $0x9000004A  }
0x4f: {  	s0 =	sadd.s32 @!p0 $0x100000, s1;
	[bflag:$0x2] =	sbarrier.arrive $0xFFFF  }
0x50: {  	[sflag:s0] =	ssyncadd.tile.s32 @!p0 $0x1;
	_ =	shalt  }
.Lfunc_end1:
_tile_overlayer_lowered:
.L_overlay_start_2:
0x51: {  	(tag) =	ssettag $0x2  }
0x52: {  	s0 =	rddreg [dreg:$0x0];
	s2 =	stileid.u32  }
0x53: {  	s1 =	rddreg [dreg:$0x1];
	p0 =	sne.s32 s2, $0x0  }
0x54: {  	s3 =	rddreg [dreg:$0x2];
	[bflag:$0x3] =	sbarrier.arrive $0xFFFF;
	s2 =	simm.s32 @!p0 $0x1C01  }
0x55: {  	[timem:s3], [sflag:s2] =	dma.local @!p0 [hbm:s0], s1  }
0x56: {  	s0 =	simm.s32 @!p0 $0x1  }
0x57: {  	_ =	swait.ge @!p0 [sflag:s0], s1  }
0x58: {  	s1 =	ssub.s32 @!p0 $0x0, s1;
	[sflag:s0] =	ssyncset.done @!p0 $0x0  }
0x59: {  	[sflag:s0] =	ssyncadd.s32 @!p0 s1  }
0x5a: {  	[bflag:$0x3] =	sbarrier.arrive $0xFFFF  }
0x5b: {  	_ =	shalt  }

</sc_bundles>
